<compile_context>
chip_gen: v7x
topology: tpu7x:2x2x1
jax: 0.10.2.dev20260603
libtpu: 0.0.44.dev20260713+nightly
codegen_flags: <defaults>
</compile_context>

<pallas_src>
import functools

import jax
import jax.numpy as jnp
from jax import lax
from jax.experimental import pallas as pl
from jax.experimental.pallas import tpu as pltpu
from jax.experimental.pallas import tpu_sc as plsc

N = 10000
E = 320000
D = 128
H = 4
HP = 16
NC = 2
NS = 16
NW = NC * NS
PER_W = E // NW
C = 80
NCHUNK = PER_W // C
NROW = E // C
C2 = 80
NCH2 = PER_W // C2
NROW2 = E // C2
NP = 10240
ROWS_T = NP // NS

_f32 = jnp.float32
_i32 = jnp.int32

_mesh = plsc.VectorSubcoreMesh(
    core_axis_name="c", subcore_axis_name="s", num_cores=NC, num_subcores=NS)

_sc_params = pltpu.CompilerParams(
    needs_layout_passes=False, use_tc_tiling_on_sc=False)



_RB = 400


def _dense_body(x_ref, fcw_ref, fcb_ref, w1_ref, w2_ref, ab_ref,
                fch_ref, as_ref, ad_ref):
    xb = x_ref[...]
    fch_ref[...] = jnp.dot(xb, fcw_ref[...],
                           preferred_element_type=_f32) + fcb_ref[...]
    as_ref[...] = jnp.dot(xb, w1_ref[...],
                          preferred_element_type=_f32) + ab_ref[...]
    ad_ref[...] = jnp.dot(xb, w2_ref[...],
                          preferred_element_type=_f32)


def _dense(x, fc_wT, fc_b2, w1T, w2T, attn_b2):
    grid = (N // _RB,)
    return pl.pallas_call(
        _dense_body,
        grid=grid,
        in_specs=[
            pl.BlockSpec((_RB, D), lambda i: (i, 0)),
            pl.BlockSpec((D, D), lambda i: (0, 0)),
            pl.BlockSpec((1, D), lambda i: (0, 0)),
            pl.BlockSpec((D, HP), lambda i: (0, 0)),
            pl.BlockSpec((D, HP), lambda i: (0, 0)),
            pl.BlockSpec((1, HP), lambda i: (0, 0)),
        ],
        out_specs=[
            pl.BlockSpec((_RB, D), lambda i: (i, 0)),
            pl.BlockSpec((_RB, HP), lambda i: (i, 0)),
            pl.BlockSpec((_RB, HP), lambda i: (i, 0)),
        ],
        out_shape=[
            jax.ShapeDtypeStruct((N, D), _f32),
            jax.ShapeDtypeStruct((N, HP), _f32),
            jax.ShapeDtypeStruct((N, HP), _f32),
        ],
    )(x, fc_wT, fc_b2, w1T, w2T, attn_b2)



@functools.partial(
    pl.kernel,
    compiler_params=_sc_params,
    out_type=(jax.ShapeDtypeStruct((E, H), _f32),
              jax.ShapeDtypeStruct((NC, NP, HP), _f32)),
    mesh=_mesh,
    scratch_types=[
        pltpu.VMEM((NCHUNK, C), _i32),
        pltpu.VMEM((NCHUNK, C), _i32),
        pltpu.VMEM((2, C, HP), _f32),
        pltpu.VMEM((2, C, HP), _f32),
        pltpu.VMEM((2, C, H), _f32),
        pltpu.VMEM((2, C, HP), _f32),
        pltpu.VMEM_SHARED((NP, HP), _f32),
        pltpu.SemaphoreType.DMA,
        pltpu.SemaphoreType.DMA,
        pltpu.SemaphoreType.DMA,
        pltpu.SemaphoreType.DMA,
    ],
)
def _pass1(a_src_hbm, a_dst_hbm, src2_hbm, dst2_hbm, zeros16_hbm,
           e_hbm, dp_hbm,
           srcall, dstall, asv, adv, ev4, ev16, dsh,
           gsem0, gsem1, esem0, esem1):
    c = lax.axis_index("c")
    s = lax.axis_index("s")
    w = c * NS + s
    base_w = w * PER_W
    pltpu.sync_copy(zeros16_hbm.at[pl.ds(s * ROWS_T, ROWS_T)],
                    dsh.at[pl.ds(s * ROWS_T, ROWS_T)])
    pltpu.sync_copy(src2_hbm.at[pl.ds(w * NCHUNK, NCHUNK)], srcall)
    pltpu.sync_copy(dst2_hbm.at[pl.ds(w * NCHUNK, NCHUNK)], dstall)

    zero16 = jnp.zeros((16,), _f32)

    def zb(j, carry):
        ev16[0, j, :] = zero16
        ev16[1, j, :] = zero16
        return carry

    lax.fori_loop(0, C, zb, 0)
    plsc.subcore_barrier()

    iota = lax.iota(_i32, 16)
    row_off = lax.shift_right_logical(iota, 2)
    col = lax.bitwise_and(iota, 3)

    def gissue(i, p, sem):
        pltpu.async_copy(a_src_hbm.at[srcall.at[i]], asv.at[p], sem)
        pltpu.async_copy(a_dst_hbm.at[dstall.at[i]], adv.at[p], sem)

    def gwait(i, p, sem):
        pltpu.make_async_copy(a_src_hbm.at[srcall.at[i]], asv.at[p], sem).wait()
        pltpu.make_async_copy(a_dst_hbm.at[dstall.at[i]], adv.at[p], sem).wait()

    gissue(0, 0, gsem0)

    def chunk(i, carry):
        p = lax.rem(i, 2)
        base = base_w + i * C

        @pl.when(p == 0)
        def _():
            gwait(i, 0, gsem0)

        @pl.when(p == 1)
        def _():
            gwait(i, 1, gsem1)

        @pl.when(jnp.logical_and(i + 1 < NCHUNK, p == 0))
        def _():
            gissue(i + 1, 1, gsem1)

        @pl.when(jnp.logical_and(i + 1 < NCHUNK, p == 1))
        def _():
            gissue(i + 1, 0, gsem0)

        @pl.when(jnp.logical_and(i >= 2, p == 0))
        def _():
            pltpu.make_async_copy(ev4.at[0], e_hbm.at[pl.ds(base, C)], esem0).wait()

        @pl.when(jnp.logical_and(i >= 2, p == 1))
        def _():
            pltpu.make_async_copy(ev4.at[1], e_hbm.at[pl.ds(base, C)], esem1).wait()

        @plsc.parallel_loop(0, C * H // 16, unroll=4)
        def vb(j):
            rows = j * (16 // H) + row_off
            t = (plsc.load_gather(asv.at[p], [rows, col]) +
                 plsc.load_gather(adv.at[p], [rows, col]))
            t = jnp.where(t >= 0.0, t, 0.2 * t)
            plsc.store_scatter(ev4.at[p], [rows, col], t)
            plsc.store_scatter(ev16.at[p], [rows, col], t)

        @pl.when(p == 0)
        def _():
            pltpu.async_copy(ev4.at[0], e_hbm.at[pl.ds(base, C)], esem0)

        @pl.when(p == 1)
        def _():
            pltpu.async_copy(ev4.at[1], e_hbm.at[pl.ds(base, C)], esem1)

        pltpu.sync_copy(ev16.at[p], dsh.at[srcall.at[i]], add=True)
        return carry

    lax.fori_loop(0, NCHUNK, chunk, 0)
    pltpu.make_async_copy(ev4.at[0], e_hbm.at[pl.ds(base_w, C)], esem0).wait()
    pltpu.make_async_copy(ev4.at[1], e_hbm.at[pl.ds(base_w, C)], esem1).wait()
    plsc.subcore_barrier()
    pltpu.sync_copy(dsh.at[pl.ds(s * ROWS_T, ROWS_T)],
                    dp_hbm.at[c, pl.ds(s * ROWS_T, ROWS_T)])



def _rdenom_body(dp_ref, rd_ref):
    rd_ref[...] = 1.0 / (dp_ref[0] + dp_ref[1])


def _rdenom(dp):
    dpr = dp.reshape(NC, NP * HP // 128, 128)
    out = pl.pallas_call(
        _rdenom_body,
        out_shape=jax.ShapeDtypeStruct((NP * HP // 128, 128), _f32),
    )(dpr)
    return out.reshape(NP, HP)



@functools.partial(
    pl.kernel,
    compiler_params=_sc_params,
    out_type=jax.ShapeDtypeStruct((NC, NP, D), _f32),
    mesh=_mesh,
    scratch_types=[
        pltpu.VMEM((NCH2, C2), _i32),
        pltpu.VMEM((NCH2, C2), _i32),
        pltpu.VMEM((2, C2, H), _f32),
        pltpu.VMEM((2, C2, HP), _f32),
        pltpu.VMEM((C2,), _f32),
        pltpu.VMEM((2, C2, D), _f32),
        pltpu.VMEM_SHARED((NP, D), _f32),
        pltpu.SemaphoreType.DMA,
        pltpu.SemaphoreType.DMA,
    ],
)
def _pass2(src2_hbm, dst2_hbm, e_hbm, rd_hbm, fch_hbm, zerosD_hbm,
           op_hbm,
           srcall, dstall, ev, rdv, coeffv, grows, osh,
           lsem0, lsem1):
    c = lax.axis_index("c")
    s = lax.axis_index("s")
    w = c * NS + s
    base_w = w * PER_W
    pltpu.sync_copy(zerosD_hbm.at[pl.ds(s * ROWS_T, ROWS_T)],
                    osh.at[pl.ds(s * ROWS_T, ROWS_T)])
    pltpu.sync_copy(src2_hbm.at[pl.ds(w * NCH2, NCH2)], srcall)
    pltpu.sync_copy(dst2_hbm.at[pl.ds(w * NCH2, NCH2)], dstall)
    plsc.subcore_barrier()

    iota = lax.iota(_i32, 16)

    def lissue(i, p, sem):
        base = base_w + i * C2
        pltpu.async_copy(e_hbm.at[pl.ds(base, C2)], ev.at[p], sem)
        pltpu.async_copy(rd_hbm.at[srcall.at[i]], rdv.at[p], sem)
        pltpu.async_copy(fch_hbm.at[dstall.at[i]], grows.at[p], sem)

    def lwait(i, p, sem):
        base = base_w + i * C2
        pltpu.make_async_copy(e_hbm.at[pl.ds(base, C2)], ev.at[p], sem).wait()
        pltpu.make_async_copy(rd_hbm.at[srcall.at[i]], rdv.at[p], sem).wait()
        pltpu.make_async_copy(fch_hbm.at[dstall.at[i]], grows.at[p], sem).wait()

    lissue(0, 0, lsem0)

    def chunk(i, carry):
        p = lax.rem(i, 2)

        @pl.when(p == 0)
        def _():
            lwait(i, 0, lsem0)

        @pl.when(p == 1)
        def _():
            lwait(i, 1, lsem1)

        @pl.when(jnp.logical_and(i + 1 < NCH2, p == 0))
        def _():
            lissue(i + 1, 1, lsem1)

        @pl.when(jnp.logical_and(i + 1 < NCH2, p == 1))
        def _():
            lissue(i + 1, 0, lsem0)

        def cb(j, carry2):
            ridx = j * 16 + iota
            acc = jnp.zeros((16,), _f32)
            for h in range(H):
                hidx = jnp.full((16,), h, _i32)
                acc = acc + (plsc.load_gather(ev.at[p], [ridx, hidx]) *
                             plsc.load_gather(rdv.at[p], [ridx, hidx]))
            coeffv[pl.ds(j * 16, 16)] = acc * (1.0 / H)
            return carry2

        lax.fori_loop(0, C2 // 16, cb, 0)

        @plsc.parallel_loop(0, C2, unroll=4)
        def sb(j):
            cbv = plsc.load_gather(coeffv, [jnp.full((16,), j, _i32)])
            for k in range(D // 16):
                grows[p, j, pl.ds(k * 16, 16)] = (
                    grows[p, j, pl.ds(k * 16, 16)] * cbv)

        pltpu.sync_copy(grows.at[p], osh.at[srcall.at[i]], add=True)
        return carry

    lax.fori_loop(0, NCH2, chunk, 0)
    plsc.subcore_barrier()
    pltpu.sync_copy(osh.at[pl.ds(s * ROWS_T, ROWS_T)],
                    op_hbm.at[c, pl.ds(s * ROWS_T, ROWS_T)])



def _final_body(op_ref, o_ref):
    o_ref[...] = jnp.maximum(op_ref[0] + op_ref[1], 0.0)


def _final(op):
    grid = (N // _RB,)
    return pl.pallas_call(
        _final_body,
        grid=grid,
        in_specs=[pl.BlockSpec((NC, _RB, D), lambda i: (0, i, 0))],
        out_specs=pl.BlockSpec((_RB, D), lambda i: (i, 0)),
        out_shape=jax.ShapeDtypeStruct((N, D), _f32),
    )(op)



def kernel(x, edge_index, attn_w, attn_b, fc_w, fc_b):
    src = edge_index[0].astype(_i32)
    dst = edge_index[1].astype(_i32)
    src2 = src.reshape(NROW, C)
    dst2 = dst.reshape(NROW, C)
    src2b = src.reshape(NROW2, C2)
    dst2b = dst.reshape(NROW2, C2)
    fc_wT = fc_w.T
    w1T = jnp.zeros((D, HP), _f32).at[:, :H].set(attn_w[:, :D].T)
    w2T = jnp.zeros((D, HP), _f32).at[:, :H].set(attn_w[:, D:].T)
    fc_b2 = fc_b.reshape(1, D)
    attn_b2 = jnp.zeros((1, HP), _f32).at[0, :H].set(attn_b)

    fc_h, a_src, a_dst = _dense(x, fc_wT, fc_b2, w1T, w2T, attn_b2)

    zeros16 = jnp.zeros((NP, HP), _f32)
    zerosD = jnp.zeros((NP, D), _f32)

    e, dp = _pass1(a_src, a_dst, src2, dst2, zeros16)
    rd = _rdenom(dp)
    op = _pass2(src2b, dst2b, e, rd, fc_h, zerosD)
    return _final(op[:, :N])

# --- scband reference (transcript-rebuilt; emitter-appended) ---
"""Pipeline reference for scband-gatlayer-35476429865592 (READ-ONLY COPY).

The authoritative reference and input builder live on the scoring server;
editing this copy changes nothing except your own understanding.
"""

import jax, jax.numpy as jnp
import numpy as np

N = 10000
E = 320000
IN_DIM = 128
OUT_DIM = 128
NUM_HEADS = 4


def leaky_relu(x):
    return jnp.where(x >= 0, x, 0.2 * x)


def setup_inputs(seed: int = 0) -> dict:
    key = jax.random.key(seed)
    k1, k2, k3, k4 = jax.random.split(key, 4)
    x = jax.random.normal(k1, (N, IN_DIM), dtype=jnp.float32)
    edge_index = jax.random.randint(k2, (2, E), 0, N)
    # per-head attention params: attnn = Linear(2*in_dim, 1) for each of NUM_HEADS heads
    attn_w = jax.random.normal(k3, (NUM_HEADS, 2 * IN_DIM), dtype=jnp.float32) * (1.0 / np.sqrt(2 * IN_DIM))
    attn_b = jnp.zeros((NUM_HEADS,), dtype=jnp.float32)
    # shared fc = Linear(in_dim, out_dim)
    fc_w = jax.random.normal(k4, (OUT_DIM, IN_DIM), dtype=jnp.float32) * (1.0 / np.sqrt(IN_DIM))
    fc_b = jnp.zeros((OUT_DIM,), dtype=jnp.float32)
    return {"x": x, "edge_index": edge_index, "attn_w": attn_w, "attn_b": attn_b, "fc_w": fc_w, "fc_b": fc_b}


def reference(x, edge_index, attn_w, attn_b, fc_w, fc_b):
    # GATLayer with final=True, vectorized over edges.
    # For each edge (i=src, k=dst) and each head:
    #   e_ik  = leakyrelu(attnn(cat(h[i], h[k])))
    #   alpha_ik = e_ik / sum_{(i,m) in edges} e_im   (normalization over i's outgoing edges)
    # out[i] = relu( (1/num_heads) * sum_heads sum_{(i,k)} alpha_ik * fc(h[k]) )
    src = edge_index[0]
    dst = edge_index[1]
    h_src = x[src]                      # [E, d] gather
    h_dst = x[dst]                      # [E, d] gather
    hc = jnp.concatenate([h_src, h_dst], axis=-1)           # [E, 2d]
    e = leaky_relu(hc @ attn_w.T + attn_b)                   # [E, H]
    denom = jax.ops.segment_sum(e, src, num_segments=N)      # [N, H] scatter-add
    alpha = e / denom[src]                                   # [E, H] gather
    # fc(h[k]) == (fc(h))[k]; compute fc once per node, then gather per edge
    fc_h = x @ fc_w.T + fc_b                                 # [N, out]
    msg = fc_h[dst]                                          # [E, out] gather
    # msg is shared across heads, so sum_h alpha^h * msg = (sum_h alpha^h) * msg
    coeff = alpha.sum(axis=1) / NUM_HEADS                    # [E]
    out = jax.ops.segment_sum(coeff[:, None] * msg, src, num_segments=N)  # [N, out] scatter-add
    return jax.nn.relu(out)

if __name__ == "__main__":
    import jax
    _d = setup_inputs()
    print(jax.jit(kernel)(*tuple(_d.values())))

</pallas_src>

<mosaic_0001>
#map = affine_map<(d0, d1) -> (0, 0)>
#map1 = affine_map<(d0, d1) -> (0, 0, 0)>
module attributes {stable_mosaic.version = 14 : i64} {
  func.func @_pass2(%arg0: i32, %arg1: i32, %arg2: memref<4000x80xi32, #tpu.memory_space<hbm>>, %arg3: memref<4000x80xi32, #tpu.memory_space<hbm>>, %arg4: memref<320000x4xf32, #tpu.memory_space<hbm>>, %arg5: memref<10240x16xf32, #tpu.memory_space<hbm>>, %arg6: memref<10000x128xf32, #tpu.memory_space<hbm>>, %arg7: memref<10240x128xf32, #tpu.memory_space<hbm>>, %arg8: memref<2x10240x128xf32, #tpu.memory_space<hbm>>, %arg9: memref<125x80xi32, #tpu.memory_space<vmem>>, %arg10: memref<125x80xi32, #tpu.memory_space<vmem>>, %arg11: memref<2x80x4xf32, #tpu.memory_space<vmem>>, %arg12: memref<2x80x16xf32, #tpu.memory_space<vmem>>, %arg13: memref<80xf32, #tpu.memory_space<vmem>>, %arg14: memref<2x80x128xf32, #tpu.memory_space<vmem>>, %arg15: memref<10240x128xf32, #tpu.memory_space<vmem_shared>>, %arg16: memref<!tpu.dma_semaphore, #tpu.memory_space<semaphore_mem>>, %arg17: memref<!tpu.dma_semaphore, #tpu.memory_space<semaphore_mem>>) attributes {dimension_semantics = [#tpu.dimension_semantics<core_parallel>, #tpu.dimension_semantics<subcore_parallel>], iteration_bounds = array<i64: 2, 16>, scalar_prefetch = 0 : i64, scratch_operands = 9 : i64, tpu.core_type = #tpu.core_type<sc_vector_subcore>, window_params = [{transform_indices = #map}, {transform_indices = #map}, {transform_indices = #map}, {transform_indices = #map}, {transform_indices = #map}, {transform_indices = #map}, {transform_indices = #map1}]} {
    %mul3A = arith.constant 16 : i32
    %mul3A_0 = arith.muli %arg0, %mul3A : i32
    %add3A = arith.addi %mul3A_0, %arg1 : i32
    %mul3A_1 = arith.constant 10000 : i32
    %mul3A_2 = arith.muli %add3A, %mul3A_1 : i32
    %mul3A_3 = arith.constant 640 : i32
    %mul3A_4 = arith.muli %arg1, %mul3A_3 : i32
    %mul3A_5 = arith.constant 640 : i32
    %mul3A_6 = arith.muli %arg1, %mul3A_5 : i32
    "tpu.region"() ({
      %run_scoped3A = tpu.sem_alloc : memref<!tpu.dma_semaphore, #tpu.memory_space<semaphore_mem>>
      %dma_start3A_59 = arith.constant 0 : i32
      %dma_start3A_60 = tpu.memref_slice %arg15[%mul3A_6, %dma_start3A_59] : memref<10240x128xf32, #tpu.memory_space<vmem_shared>> -> memref<640x128xf32, #tpu.memory_space<vmem_shared>>
      %dma_start3A_61 = arith.constant 0 : i32
      %dma_start3A_62 = tpu.memref_slice %arg7[%mul3A_4, %dma_start3A_61] : memref<10240x128xf32, #tpu.memory_space<hbm>> -> memref<640x128xf32, #tpu.memory_space<hbm>>
      tpu.enqueue_dma source(%dma_start3A_62 : memref<640x128xf32, #tpu.memory_space<hbm>>) target(%dma_start3A_60 : memref<640x128xf32, #tpu.memory_space<vmem_shared>>) target_semaphore(%run_scoped3A : memref<!tpu.dma_semaphore, #tpu.memory_space<semaphore_mem>>)
      %dma_wait3A = arith.constant 0 : i32
      %dma_wait3A_63 = tpu.memref_slice %arg15[%mul3A_6, %dma_wait3A] : memref<10240x128xf32, #tpu.memory_space<vmem_shared>> -> memref<640x128xf32, #tpu.memory_space<vmem_shared>>
      %dma_wait3A_64 = arith.constant 0 : i32
      %dma_wait3A_65 = tpu.memref_slice %arg7[%mul3A_4, %dma_wait3A_64] : memref<10240x128xf32, #tpu.memory_space<hbm>> -> memref<640x128xf32, #tpu.memory_space<hbm>>
      tpu.wait_dma2 semaphore(%run_scoped3A : memref<!tpu.dma_semaphore, #tpu.memory_space<semaphore_mem>>) src(%dma_wait3A_65 : memref<640x128xf32, #tpu.memory_space<hbm>>) dst(%dma_wait3A_63 : memref<640x128xf32, #tpu.memory_space<vmem_shared>>)
      tpu.yield
    }) : () -> ()
    %mul3A_7 = arith.constant 125 : i32
    %mul3A_8 = arith.muli %add3A, %mul3A_7 : i32
    "tpu.region"() ({
      %run_scoped3A = tpu.sem_alloc : memref<!tpu.dma_semaphore, #tpu.memory_space<semaphore_mem>>
      %dma_start3A_59 = arith.constant 0 : i32
      %dma_start3A_60 = tpu.memref_slice %arg2[%mul3A_8, %dma_start3A_59] : memref<4000x80xi32, #tpu.memory_space<hbm>> -> memref<125x80xi32, #tpu.memory_space<hbm>>
      %dma_start3A_61 = arith.constant 0 : i32
      %dma_start3A_62 = tpu.memref_slice %arg2[%mul3A_8, %dma_start3A_61] : memref<4000x80xi32, #tpu.memory_space<hbm>> -> memref<125x80xi32, #tpu.memory_space<hbm>>
      tpu.enqueue_dma source(%dma_start3A_62 : memref<125x80xi32, #tpu.memory_space<hbm>>) target(%arg9 : memref<125x80xi32, #tpu.memory_space<vmem>>) target_semaphore(%run_scoped3A : memref<!tpu.dma_semaphore, #tpu.memory_space<semaphore_mem>>)
      %dma_wait3A = arith.constant 0 : i32
      %dma_wait3A_63 = tpu.memref_slice %arg2[%mul3A_8, %dma_wait3A] : memref<4000x80xi32, #tpu.memory_space<hbm>> -> memref<125x80xi32, #tpu.memory_space<hbm>>
      %dma_wait3A_64 = arith.constant 0 : i32
      %dma_wait3A_65 = tpu.memref_slice %arg2[%mul3A_8, %dma_wait3A_64] : memref<4000x80xi32, #tpu.memory_space<hbm>> -> memref<125x80xi32, #tpu.memory_space<hbm>>
      tpu.wait_dma2 semaphore(%run_scoped3A : memref<!tpu.dma_semaphore, #tpu.memory_space<semaphore_mem>>) src(%dma_wait3A_65 : memref<125x80xi32, #tpu.memory_space<hbm>>) dst(%arg9 : memref<125x80xi32, #tpu.memory_space<vmem>>)
      tpu.yield
    }) : () -> ()
    %mul3A_9 = arith.constant 125 : i32
    %mul3A_10 = arith.muli %add3A, %mul3A_9 : i32
    "tpu.region"() ({
      %run_scoped3A = tpu.sem_alloc : memref<!tpu.dma_semaphore, #tpu.memory_space<semaphore_mem>>
      %dma_start3A_59 = arith.constant 0 : i32
      %dma_start3A_60 = tpu.memref_slice %arg3[%mul3A_10, %dma_start3A_59] : memref<4000x80xi32, #tpu.memory_space<hbm>> -> memref<125x80xi32, #tpu.memory_space<hbm>>
      %dma_start3A_61 = arith.constant 0 : i32
      %dma_start3A_62 = tpu.memref_slice %arg3[%mul3A_10, %dma_start3A_61] : memref<4000x80xi32, #tpu.memory_space<hbm>> -> memref<125x80xi32, #tpu.memory_space<hbm>>
      tpu.enqueue_dma source(%dma_start3A_62 : memref<125x80xi32, #tpu.memory_space<hbm>>) target(%arg10 : memref<125x80xi32, #tpu.memory_space<vmem>>) target_semaphore(%run_scoped3A : memref<!tpu.dma_semaphore, #tpu.memory_space<semaphore_mem>>)
      %dma_wait3A = arith.constant 0 : i32
      %dma_wait3A_63 = tpu.memref_slice %arg3[%mul3A_10, %dma_wait3A] : memref<4000x80xi32, #tpu.memory_space<hbm>> -> memref<125x80xi32, #tpu.memory_space<hbm>>
      %dma_wait3A_64 = arith.constant 0 : i32
      %dma_wait3A_65 = tpu.memref_slice %arg3[%mul3A_10, %dma_wait3A_64] : memref<4000x80xi32, #tpu.memory_space<hbm>> -> memref<125x80xi32, #tpu.memory_space<hbm>>
      tpu.wait_dma2 semaphore(%run_scoped3A : memref<!tpu.dma_semaphore, #tpu.memory_space<semaphore_mem>>) src(%dma_wait3A_65 : memref<125x80xi32, #tpu.memory_space<hbm>>) dst(%arg10 : memref<125x80xi32, #tpu.memory_space<vmem>>)
      tpu.yield
    }) : () -> ()
    %barrier3A = arith.constant 0 : index
    tpu.barrier barrier_id(%barrier3A)
    %iota3A = tpu.iota {dimensions = array<i32: 0>} : vector<16xi32>
    %add3A_11 = arith.constant 0 : i32
    %add3A_12 = arith.addi %mul3A_2, %add3A_11 : i32
    %dma_start3A = arith.constant 0 : i32
    %dma_start3A_13 = arith.constant 0 : i32
    %dma_start3A_14 = arith.constant 0 : i32
    %dma_start3A_15 = tpu.memref_slice %arg11[%dma_start3A, %dma_start3A_13, %dma_start3A_14] : memref<2x80x4xf32, #tpu.memory_space<vmem>> -> memref<1x80x4xf32, #tpu.memory_space<vmem>>
    %dma_start3A_16 = tpu.memref_squeeze %dma_start3A_15 : memref<1x80x4xf32, #tpu.memory_space<vmem>> -> memref<80x4xf32, #tpu.memory_space<vmem>>
    %dma_start3A_17 = arith.constant 0 : i32
    %dma_start3A_18 = tpu.memref_slice %arg4[%add3A_12, %dma_start3A_17] : memref<320000x4xf32, #tpu.memory_space<hbm>> -> memref<80x4xf32, #tpu.memory_space<hbm>>
    %dma_start3A_19 = arith.constant 0 : i32
    %dma_start3A_20 = arith.constant 0 : i32
    %dma_start3A_21 = tpu.memref_slice %arg11[%dma_start3A, %dma_start3A_19, %dma_start3A_20] : memref<2x80x4xf32, #tpu.memory_space<vmem>> -> memref<1x80x4xf32, #tpu.memory_space<vmem>>
    %dma_start3A_22 = tpu.memref_squeeze %dma_start3A_21 : memref<1x80x4xf32, #tpu.memory_space<vmem>> -> memref<80x4xf32, #tpu.memory_space<vmem>>
    %dma_start3A_23 = arith.constant 0 : i32
    %dma_start3A_24 = tpu.memref_slice %arg4[%add3A_12, %dma_start3A_23] : memref<320000x4xf32, #tpu.memory_space<hbm>> -> memref<80x4xf32, #tpu.memory_space<hbm>>
    tpu.enqueue_dma source(%dma_start3A_24 : memref<80x4xf32, #tpu.memory_space<hbm>>) target(%dma_start3A_22 : memref<80x4xf32, #tpu.memory_space<vmem>>) target_semaphore(%arg16 : memref<!tpu.dma_semaphore, #tpu.memory_space<semaphore_mem>>)
    %dma_start3A_25 = arith.constant 0 : i32
    %dma_start3A_26 = arith.constant 0 : i32
    %dma_start3A_27 = arith.constant 0 : i32
    %dma_start3A_28 = arith.constant 0 : i32
    %dma_start3A_29 = tpu.memref_slice %arg12[%dma_start3A_26, %dma_start3A_27, %dma_start3A_28] : memref<2x80x16xf32, #tpu.memory_space<vmem>> -> memref<1x80x16xf32, #tpu.memory_space<vmem>>
    %dma_start3A_30 = tpu.memref_squeeze %dma_start3A_29 : memref<1x80x16xf32, #tpu.memory_space<vmem>> -> memref<80x16xf32, #tpu.memory_space<vmem>>
    %dma_start3A_31 = arith.constant 0 : i32
    %dma_start3A_32 = tpu.memref_slice %arg9[%dma_start3A_25, %dma_start3A_31] : memref<125x80xi32, #tpu.memory_space<vmem>> -> memref<1x80xi32, #tpu.memory_space<vmem>>
    %dma_start3A_33 = tpu.memref_squeeze %dma_start3A_32 : memref<1x80xi32, #tpu.memory_space<vmem>> -> memref<80xi32, #tpu.memory_space<vmem>>
    %dma_start3A_34 = arith.constant 0 : i32
    %dma_start3A_35 = arith.constant 0 : i32
    %dma_start3A_36 = tpu.memref_slice %arg5[%dma_start3A_34, %dma_start3A_35] : memref<10240x16xf32, #tpu.memory_space<hbm>> -> memref<10240x16xf32, #tpu.memory_space<hbm>>
    tpu.enqueue_indirect_dma source(%dma_start3A_36 : memref<10240x16xf32, #tpu.memory_space<hbm>>) target(%dma_start3A_30 : memref<80x16xf32, #tpu.memory_space<vmem>>) offsets(%dma_start3A_33 : memref<80xi32, #tpu.memory_space<vmem>>) semaphore(%arg16 : memref<!tpu.dma_semaphore, #tpu.memory_space<semaphore_mem>>)
    %dma_start3A_37 = arith.constant 0 : i32
    %dma_start3A_38 = arith.constant 0 : i32
    %dma_start3A_39 = arith.constant 0 : i32
    %dma_start3A_40 = arith.constant 0 : i32
    %dma_start3A_41 = tpu.memref_slice %arg14[%dma_start3A_38, %dma_start3A_39, %dma_start3A_40] : memref<2x80x128xf32, #tpu.memory_space<vmem>> -> memref<1x80x128xf32, #tpu.memory_space<vmem>>
    %dma_start3A_42 = tpu.memref_squeeze %dma_start3A_41 : memref<1x80x128xf32, #tpu.memory_space<vmem>> -> memref<80x128xf32, #tpu.memory_space<vmem>>
    %dma_start3A_43 = arith.constant 0 : i32
    %dma_start3A_44 = tpu.memref_slice %arg10[%dma_start3A_37, %dma_start3A_43] : memref<125x80xi32, #tpu.memory_space<vmem>> -> memref<1x80xi32, #tpu.memory_space<vmem>>
    %dma_start3A_45 = tpu.memref_squeeze %dma_start3A_44 : memref<1x80xi32, #tpu.memory_space<vmem>> -> memref<80xi32, #tpu.memory_space<vmem>>
    %dma_start3A_46 = arith.constant 0 : i32
    %dma_start3A_47 = arith.constant 0 : i32
    %dma_start3A_48 = tpu.memref_slice %arg6[%dma_start3A_46, %dma_start3A_47] : memref<10000x128xf32, #tpu.memory_space<hbm>> -> memref<10000x128xf32, #tpu.memory_space<hbm>>
    tpu.enqueue_indirect_dma source(%dma_start3A_48 : memref<10000x128xf32, #tpu.memory_space<hbm>>) target(%dma_start3A_42 : memref<80x128xf32, #tpu.memory_space<vmem>>) offsets(%dma_start3A_45 : memref<80xi32, #tpu.memory_space<vmem>>) semaphore(%arg16 : memref<!tpu.dma_semaphore, #tpu.memory_space<semaphore_mem>>)
    %scan3A = arith.constant 0 : i32
    %scan3A_49 = arith.constant 0 : i32
    %scan3A_50 = arith.constant 125 : i32
    %scan3A_51 = arith.addi %scan3A_49, %scan3A_50 : i32
    %scan3A_52 = arith.constant 1 : i32
    scf.for %scan3A_59 = %scan3A_49 to %scan3A_51 step %scan3A_52  : i32 {
      %rem3A = arith.constant 2 : i32
      %rem3A_60 = arith.remsi %scan3A_59, %rem3A : i32
      %eq3A = arith.constant 0 : i32
      %eq3A_61 = arith.cmpi eq, %rem3A_60, %eq3A : i32
      %convert_element_type3A = arith.extui %eq3A_61 : i1 to i32
      %cond3A = arith.constant 0 : i32
      %cond3A_62 = arith.cmpi ne, %convert_element_type3A, %cond3A : i32
      scf.if %cond3A_62 {
        %mul3A_94 = arith.constant 80 : i32
        %mul3A_95 = arith.muli %scan3A_59, %mul3A_94 : i32
        %add3A_96 = arith.addi %mul3A_2, %mul3A_95 : i32
        %dma_wait3A = arith.constant 0 : i32
        %dma_wait3A_97 = arith.constant 0 : i32
        %dma_wait3A_98 = arith.constant 0 : i32
        %dma_wait3A_99 = tpu.memref_slice %arg11[%dma_wait3A, %dma_wait3A_97, %dma_wait3A_98] : memref<2x80x4xf32, #tpu.memory_space<vmem>> -> memref<1x80x4xf32, #tpu.memory_space<vmem>>
        %dma_wait3A_100 = tpu.memref_squeeze %dma_wait3A_99 : memref<1x80x4xf32, #tpu.memory_space<vmem>> -> memref<80x4xf32, #tpu.memory_space<vmem>>
        %dma_wait3A_101 = arith.constant 0 : i32
        %dma_wait3A_102 = tpu.memref_slice %arg4[%add3A_96, %dma_wait3A_101] : memref<320000x4xf32, #tpu.memory_space<hbm>> -> memref<80x4xf32, #tpu.memory_space<hbm>>
        %dma_wait3A_103 = arith.constant 0 : i32
        %dma_wait3A_104 = arith.constant 0 : i32
        %dma_wait3A_105 = tpu.memref_slice %arg11[%dma_wait3A, %dma_wait3A_103, %dma_wait3A_104] : memref<2x80x4xf32, #tpu.memory_space<vmem>> -> memref<1x80x4xf32, #tpu.memory_space<vmem>>
        %dma_wait3A_106 = tpu.memref_squeeze %dma_wait3A_105 : memref<1x80x4xf32, #tpu.memory_space<vmem>> -> memref<80x4xf32, #tpu.memory_space<vmem>>
        %dma_wait3A_107 = arith.constant 0 : i32
        %dma_wait3A_108 = tpu.memref_slice %arg4[%add3A_96, %dma_wait3A_107] : memref<320000x4xf32, #tpu.memory_space<hbm>> -> memref<80x4xf32, #tpu.memory_space<hbm>>
        tpu.wait_dma2 semaphore(%arg16 : memref<!tpu.dma_semaphore, #tpu.memory_space<semaphore_mem>>) src(%dma_wait3A_108 : memref<80x4xf32, #tpu.memory_space<hbm>>) dst(%dma_wait3A_106 : memref<80x4xf32, #tpu.memory_space<vmem>>)
        %dma_wait3A_109 = arith.constant 0 : i32
        %dma_wait3A_110 = arith.constant 0 : i32
        %dma_wait3A_111 = arith.constant 0 : i32
        %dma_wait3A_112 = tpu.memref_slice %arg12[%dma_wait3A_109, %dma_wait3A_110, %dma_wait3A_111] : memref<2x80x16xf32, #tpu.memory_space<vmem>> -> memref<1x80x16xf32, #tpu.memory_space<vmem>>
        %dma_wait3A_113 = tpu.memref_squeeze %dma_wait3A_112 : memref<1x80x16xf32, #tpu.memory_space<vmem>> -> memref<80x16xf32, #tpu.memory_space<vmem>>
        %dma_wait3A_114 = arith.constant 0 : i32
        %dma_wait3A_115 = tpu.memref_slice %arg9[%scan3A_59, %dma_wait3A_114] : memref<125x80xi32, #tpu.memory_space<vmem>> -> memref<1x80xi32, #tpu.memory_space<vmem>>
        %dma_wait3A_116 = tpu.memref_squeeze %dma_wait3A_115 : memref<1x80xi32, #tpu.memory_space<vmem>> -> memref<80xi32, #tpu.memory_space<vmem>>
        %dma_wait3A_117 = arith.constant 0 : i32
        %dma_wait3A_118 = arith.constant 0 : i32
        %dma_wait3A_119 = tpu.memref_slice %arg5[%dma_wait3A_117, %dma_wait3A_118] : memref<10240x16xf32, #tpu.memory_space<hbm>> -> memref<10240x16xf32, #tpu.memory_space<hbm>>
        tpu.wait_indirect_dma semaphore(%arg16 : memref<!tpu.dma_semaphore, #tpu.memory_space<semaphore_mem>>) src(%dma_wait3A_119 : memref<10240x16xf32, #tpu.memory_space<hbm>>) dst(%dma_wait3A_113 : memref<80x16xf32, #tpu.memory_space<vmem>>)
        %dma_wait3A_120 = arith.constant 0 : i32
        %dma_wait3A_121 = arith.constant 0 : i32
        %dma_wait3A_122 = arith.constant 0 : i32
        %dma_wait3A_123 = tpu.memref_slice %arg14[%dma_wait3A_120, %dma_wait3A_121, %dma_wait3A_122] : memref<2x80x128xf32, #tpu.memory_space<vmem>> -> memref<1x80x128xf32, #tpu.memory_space<vmem>>
        %dma_wait3A_124 = tpu.memref_squeeze %dma_wait3A_123 : memref<1x80x128xf32, #tpu.memory_space<vmem>> -> memref<80x128xf32, #tpu.memory_space<vmem>>
        %dma_wait3A_125 = arith.constant 0 : i32
        %dma_wait3A_126 = tpu.memref_slice %arg10[%scan3A_59, %dma_wait3A_125] : memref<125x80xi32, #tpu.memory_space<vmem>> -> memref<1x80xi32, #tpu.memory_space<vmem>>
        %dma_wait3A_127 = tpu.memref_squeeze %dma_wait3A_126 : memref<1x80xi32, #tpu.memory_space<vmem>> -> memref<80xi32, #tpu.memory_space<vmem>>
        %dma_wait3A_128 = arith.constant 0 : i32
        %dma_wait3A_129 = arith.constant 0 : i32
        %dma_wait3A_130 = tpu.memref_slice %arg6[%dma_wait3A_128, %dma_wait3A_129] : memref<10000x128xf32, #tpu.memory_space<hbm>> -> memref<10000x128xf32, #tpu.memory_space<hbm>>
        tpu.wait_indirect_dma semaphore(%arg16 : memref<!tpu.dma_semaphore, #tpu.memory_space<semaphore_mem>>) src(%dma_wait3A_130 : memref<10000x128xf32, #tpu.memory_space<hbm>>) dst(%dma_wait3A_124 : memref<80x128xf32, #tpu.memory_space<vmem>>)
      } else {
      }
      %eq3A_63 = arith.constant 1 : i32
      %eq3A_64 = arith.cmpi eq, %rem3A_60, %eq3A_63 : i32
      %convert_element_type3A_65 = arith.extui %eq3A_64 : i1 to i32
      %cond3A_66 = arith.constant 0 : i32
      %cond3A_67 = arith.cmpi ne, %convert_element_type3A_65, %cond3A_66 : i32
      scf.if %cond3A_67 {
        %mul3A_94 = arith.constant 80 : i32
        %mul3A_95 = arith.muli %scan3A_59, %mul3A_94 : i32
        %add3A_96 = arith.addi %mul3A_2, %mul3A_95 : i32
        %dma_wait3A = arith.constant 1 : i32
        %dma_wait3A_97 = arith.constant 0 : i32
        %dma_wait3A_98 = arith.constant 0 : i32
        %dma_wait3A_99 = tpu.memref_slice %arg11[%dma_wait3A, %dma_wait3A_97, %dma_wait3A_98] : memref<2x80x4xf32, #tpu.memory_space<vmem>> -> memref<1x80x4xf32, #tpu.memory_space<vmem>>
        %dma_wait3A_100 = tpu.memref_squeeze %dma_wait3A_99 : memref<1x80x4xf32, #tpu.memory_space<vmem>> -> memref<80x4xf32, #tpu.memory_space<vmem>>
        %dma_wait3A_101 = arith.constant 0 : i32
        %dma_wait3A_102 = tpu.memref_slice %arg4[%add3A_96, %dma_wait3A_101] : memref<320000x4xf32, #tpu.memory_space<hbm>> -> memref<80x4xf32, #tpu.memory_space<hbm>>
        %dma_wait3A_103 = arith.constant 0 : i32
        %dma_wait3A_104 = arith.constant 0 : i32
        %dma_wait3A_105 = tpu.memref_slice %arg11[%dma_wait3A, %dma_wait3A_103, %dma_wait3A_104] : memref<2x80x4xf32, #tpu.memory_space<vmem>> -> memref<1x80x4xf32, #tpu.memory_space<vmem>>
        %dma_wait3A_106 = tpu.memref_squeeze %dma_wait3A_105 : memref<1x80x4xf32, #tpu.memory_space<vmem>> -> memref<80x4xf32, #tpu.memory_space<vmem>>
        %dma_wait3A_107 = arith.constant 0 : i32
        %dma_wait3A_108 = tpu.memref_slice %arg4[%add3A_96, %dma_wait3A_107] : memref<320000x4xf32, #tpu.memory_space<hbm>> -> memref<80x4xf32, #tpu.memory_space<hbm>>
        tpu.wait_dma2 semaphore(%arg17 : memref<!tpu.dma_semaphore, #tpu.memory_space<semaphore_mem>>) src(%dma_wait3A_108 : memref<80x4xf32, #tpu.memory_space<hbm>>) dst(%dma_wait3A_106 : memref<80x4xf32, #tpu.memory_space<vmem>>)
        %dma_wait3A_109 = arith.constant 1 : i32
        %dma_wait3A_110 = arith.constant 0 : i32
        %dma_wait3A_111 = arith.constant 0 : i32
        %dma_wait3A_112 = tpu.memref_slice %arg12[%dma_wait3A_109, %dma_wait3A_110, %dma_wait3A_111] : memref<2x80x16xf32, #tpu.memory_space<vmem>> -> memref<1x80x16xf32, #tpu.memory_space<vmem>>
        %dma_wait3A_113 = tpu.memref_squeeze %dma_wait3A_112 : memref<1x80x16xf32, #tpu.memory_space<vmem>> -> memref<80x16xf32, #tpu.memory_space<vmem>>
        %dma_wait3A_114 = arith.constant 0 : i32
        %dma_wait3A_115 = tpu.memref_slice %arg9[%scan3A_59, %dma_wait3A_114] : memref<125x80xi32, #tpu.memory_space<vmem>> -> memref<1x80xi32, #tpu.memory_space<vmem>>
        %dma_wait3A_116 = tpu.memref_squeeze %dma_wait3A_115 : memref<1x80xi32, #tpu.memory_space<vmem>> -> memref<80xi32, #tpu.memory_space<vmem>>
        %dma_wait3A_117 = arith.constant 0 : i32
        %dma_wait3A_118 = arith.constant 0 : i32
        %dma_wait3A_119 = tpu.memref_slice %arg5[%dma_wait3A_117, %dma_wait3A_118] : memref<10240x16xf32, #tpu.memory_space<hbm>> -> memref<10240x16xf32, #tpu.memory_space<hbm>>
        tpu.wait_indirect_dma semaphore(%arg17 : memref<!tpu.dma_semaphore, #tpu.memory_space<semaphore_mem>>) src(%dma_wait3A_119 : memref<10240x16xf32, #tpu.memory_space<hbm>>) dst(%dma_wait3A_113 : memref<80x16xf32, #tpu.memory_space<vmem>>)
        %dma_wait3A_120 = arith.constant 1 : i32
        %dma_wait3A_121 = arith.constant 0 : i32
        %dma_wait3A_122 = arith.constant 0 : i32
        %dma_wait3A_123 = tpu.memref_slice %arg14[%dma_wait3A_120, %dma_wait3A_121, %dma_wait3A_122] : memref<2x80x128xf32, #tpu.memory_space<vmem>> -> memref<1x80x128xf32, #tpu.memory_space<vmem>>
        %dma_wait3A_124 = tpu.memref_squeeze %dma_wait3A_123 : memref<1x80x128xf32, #tpu.memory_space<vmem>> -> memref<80x128xf32, #tpu.memory_space<vmem>>
        %dma_wait3A_125 = arith.constant 0 : i32
        %dma_wait3A_126 = tpu.memref_slice %arg10[%scan3A_59, %dma_wait3A_125] : memref<125x80xi32, #tpu.memory_space<vmem>> -> memref<1x80xi32, #tpu.memory_space<vmem>>
        %dma_wait3A_127 = tpu.memref_squeeze %dma_wait3A_126 : memref<1x80xi32, #tpu.memory_space<vmem>> -> memref<80xi32, #tpu.memory_space<vmem>>
        %dma_wait3A_128 = arith.constant 0 : i32
        %dma_wait3A_129 = arith.constant 0 : i32
        %dma_wait3A_130 = tpu.memref_slice %arg6[%dma_wait3A_128, %dma_wait3A_129] : memref<10000x128xf32, #tpu.memory_space<hbm>> -> memref<10000x128xf32, #tpu.memory_space<hbm>>
        tpu.wait_indirect_dma semaphore(%arg17 : memref<!tpu.dma_semaphore, #tpu.memory_space<semaphore_mem>>) src(%dma_wait3A_130 : memref<10000x128xf32, #tpu.memory_space<hbm>>) dst(%dma_wait3A_124 : memref<80x128xf32, #tpu.memory_space<vmem>>)
      } else {
      }
      %add3A_68 = arith.constant 1 : i32
      %add3A_69 = arith.addi %scan3A_59, %add3A_68 : i32
      %lt3A = arith.constant 125 : i32
      %lt3A_70 = arith.cmpi slt, %add3A_69, %lt3A : i32
      %eq3A_71 = arith.constant 0 : i32
      %eq3A_72 = arith.cmpi eq, %rem3A_60, %eq3A_71 : i32
      %and3A = arith.andi %lt3A_70, %eq3A_72 : i1
      %convert_element_type3A_73 = arith.extui %and3A : i1 to i32
      %cond3A_74 = arith.constant 0 : i32
      %cond3A_75 = arith.cmpi ne, %convert_element_type3A_73, %cond3A_74 : i32
      scf.if %cond3A_75 {
        %add3A_94 = arith.constant 1 : i32
        %add3A_95 = arith.addi %scan3A_59, %add3A_94 : i32
        %mul3A_96 = arith.constant 80 : i32
        %mul3A_97 = arith.muli %add3A_95, %mul3A_96 : i32
        %add3A_98 = arith.addi %mul3A_2, %mul3A_97 : i32
        %dma_start3A_99 = arith.constant 1 : i32
        %dma_start3A_100 = arith.constant 0 : i32
        %dma_start3A_101 = arith.constant 0 : i32
        %dma_start3A_102 = tpu.memref_slice %arg11[%dma_start3A_99, %dma_start3A_100, %dma_start3A_101] : memref<2x80x4xf32, #tpu.memory_space<vmem>> -> memref<1x80x4xf32, #tpu.memory_space<vmem>>
        %dma_start3A_103 = tpu.memref_squeeze %dma_start3A_102 : memref<1x80x4xf32, #tpu.memory_space<vmem>> -> memref<80x4xf32, #tpu.memory_space<vmem>>
        %dma_start3A_104 = arith.constant 0 : i32
        %dma_start3A_105 = tpu.memref_slice %arg4[%add3A_98, %dma_start3A_104] : memref<320000x4xf32, #tpu.memory_space<hbm>> -> memref<80x4xf32, #tpu.memory_space<hbm>>
        %dma_start3A_106 = arith.constant 0 : i32
        %dma_start3A_107 = arith.constant 0 : i32
        %dma_start3A_108 = tpu.memref_slice %arg11[%dma_start3A_99, %dma_start3A_106, %dma_start3A_107] : memref<2x80x4xf32, #tpu.memory_space<vmem>> -> memref<1x80x4xf32, #tpu.memory_space<vmem>>
        %dma_start3A_109 = tpu.memref_squeeze %dma_start3A_108 : memref<1x80x4xf32, #tpu.memory_space<vmem>> -> memref<80x4xf32, #tpu.memory_space<vmem>>
        %dma_start3A_110 = arith.constant 0 : i32
        %dma_start3A_111 = tpu.memref_slice %arg4[%add3A_98, %dma_start3A_110] : memref<320000x4xf32, #tpu.memory_space<hbm>> -> memref<80x4xf32, #tpu.memory_space<hbm>>
        tpu.enqueue_dma source(%dma_start3A_111 : memref<80x4xf32, #tpu.memory_space<hbm>>) target(%dma_start3A_109 : memref<80x4xf32, #tpu.memory_space<vmem>>) target_semaphore(%arg17 : memref<!tpu.dma_semaphore, #tpu.memory_space<semaphore_mem>>)
        %dma_start3A_112 = arith.constant 1 : i32
        %dma_start3A_113 = arith.constant 0 : i32
        %dma_start3A_114 = arith.constant 0 : i32
        %dma_start3A_115 = tpu.memref_slice %arg12[%dma_start3A_112, %dma_start3A_113, %dma_start3A_114] : memref<2x80x16xf32, #tpu.memory_space<vmem>> -> memref<1x80x16xf32, #tpu.memory_space<vmem>>
        %dma_start3A_116 = tpu.memref_squeeze %dma_start3A_115 : memref<1x80x16xf32, #tpu.memory_space<vmem>> -> memref<80x16xf32, #tpu.memory_space<vmem>>
        %dma_start3A_117 = arith.constant 0 : i32
        %dma_start3A_118 = tpu.memref_slice %arg9[%add3A_95, %dma_start3A_117] : memref<125x80xi32, #tpu.memory_space<vmem>> -> memref<1x80xi32, #tpu.memory_space<vmem>>
        %dma_start3A_119 = tpu.memref_squeeze %dma_start3A_118 : memref<1x80xi32, #tpu.memory_space<vmem>> -> memref<80xi32, #tpu.memory_space<vmem>>
        %dma_start3A_120 = arith.constant 0 : i32
        %dma_start3A_121 = arith.constant 0 : i32
        %dma_start3A_122 = tpu.memref_slice %arg5[%dma_start3A_120, %dma_start3A_121] : memref<10240x16xf32, #tpu.memory_space<hbm>> -> memref<10240x16xf32, #tpu.memory_space<hbm>>
        tpu.enqueue_indirect_dma source(%dma_start3A_122 : memref<10240x16xf32, #tpu.memory_space<hbm>>) target(%dma_start3A_116 : memref<80x16xf32, #tpu.memory_space<vmem>>) offsets(%dma_start3A_119 : memref<80xi32, #tpu.memory_space<vmem>>) semaphore(%arg17 : memref<!tpu.dma_semaphore, #tpu.memory_space<semaphore_mem>>)
        %dma_start3A_123 = arith.constant 1 : i32
        %dma_start3A_124 = arith.constant 0 : i32
        %dma_start3A_125 = arith.constant 0 : i32
        %dma_start3A_126 = tpu.memref_slice %arg14[%dma_start3A_123, %dma_start3A_124, %dma_start3A_125] : memref<2x80x128xf32, #tpu.memory_space<vmem>> -> memref<1x80x128xf32, #tpu.memory_space<vmem>>
        %dma_start3A_127 = tpu.memref_squeeze %dma_start3A_126 : memref<1x80x128xf32, #tpu.memory_space<vmem>> -> memref<80x128xf32, #tpu.memory_space<vmem>>
        %dma_start3A_128 = arith.constant 0 : i32
        %dma_start3A_129 = tpu.memref_slice %arg10[%add3A_95, %dma_start3A_128] : memref<125x80xi32, #tpu.memory_space<vmem>> -> memref<1x80xi32, #tpu.memory_space<vmem>>
        %dma_start3A_130 = tpu.memref_squeeze %dma_start3A_129 : memref<1x80xi32, #tpu.memory_space<vmem>> -> memref<80xi32, #tpu.memory_space<vmem>>
        %dma_start3A_131 = arith.constant 0 : i32
        %dma_start3A_132 = arith.constant 0 : i32
        %dma_start3A_133 = tpu.memref_slice %arg6[%dma_start3A_131, %dma_start3A_132] : memref<10000x128xf32, #tpu.memory_space<hbm>> -> memref<10000x128xf32, #tpu.memory_space<hbm>>
        tpu.enqueue_indirect_dma source(%dma_start3A_133 : memref<10000x128xf32, #tpu.memory_space<hbm>>) target(%dma_start3A_127 : memref<80x128xf32, #tpu.memory_space<vmem>>) offsets(%dma_start3A_130 : memref<80xi32, #tpu.memory_space<vmem>>) semaphore(%arg17 : memref<!tpu.dma_semaphore, #tpu.memory_space<semaphore_mem>>)
      } else {
      }
      %add3A_76 = arith.constant 1 : i32
      %add3A_77 = arith.addi %scan3A_59, %add3A_76 : i32
      %lt3A_78 = arith.constant 125 : i32
      %lt3A_79 = arith.cmpi slt, %add3A_77, %lt3A_78 : i32
      %eq3A_80 = arith.constant 1 : i32
      %eq3A_81 = arith.cmpi eq, %rem3A_60, %eq3A_80 : i32
      %and3A_82 = arith.andi %lt3A_79, %eq3A_81 : i1
      %convert_element_type3A_83 = arith.extui %and3A_82 : i1 to i32
      %cond3A_84 = arith.constant 0 : i32
      %cond3A_85 = arith.cmpi ne, %convert_element_type3A_83, %cond3A_84 : i32
      scf.if %cond3A_85 {
        %add3A_94 = arith.constant 1 : i32
        %add3A_95 = arith.addi %scan3A_59, %add3A_94 : i32
        %mul3A_96 = arith.constant 80 : i32
        %mul3A_97 = arith.muli %add3A_95, %mul3A_96 : i32
        %add3A_98 = arith.addi %mul3A_2, %mul3A_97 : i32
        %dma_start3A_99 = arith.constant 0 : i32
        %dma_start3A_100 = arith.constant 0 : i32
        %dma_start3A_101 = arith.constant 0 : i32
        %dma_start3A_102 = tpu.memref_slice %arg11[%dma_start3A_99, %dma_start3A_100, %dma_start3A_101] : memref<2x80x4xf32, #tpu.memory_space<vmem>> -> memref<1x80x4xf32, #tpu.memory_space<vmem>>
        %dma_start3A_103 = tpu.memref_squeeze %dma_start3A_102 : memref<1x80x4xf32, #tpu.memory_space<vmem>> -> memref<80x4xf32, #tpu.memory_space<vmem>>
        %dma_start3A_104 = arith.constant 0 : i32
        %dma_start3A_105 = tpu.memref_slice %arg4[%add3A_98, %dma_start3A_104] : memref<320000x4xf32, #tpu.memory_space<hbm>> -> memref<80x4xf32, #tpu.memory_space<hbm>>
        %dma_start3A_106 = arith.constant 0 : i32
        %dma_start3A_107 = arith.constant 0 : i32
        %dma_start3A_108 = tpu.memref_slice %arg11[%dma_start3A_99, %dma_start3A_106, %dma_start3A_107] : memref<2x80x4xf32, #tpu.memory_space<vmem>> -> memref<1x80x4xf32, #tpu.memory_space<vmem>>
        %dma_start3A_109 = tpu.memref_squeeze %dma_start3A_108 : memref<1x80x4xf32, #tpu.memory_space<vmem>> -> memref<80x4xf32, #tpu.memory_space<vmem>>
        %dma_start3A_110 = arith.constant 0 : i32
        %dma_start3A_111 = tpu.memref_slice %arg4[%add3A_98, %dma_start3A_110] : memref<320000x4xf32, #tpu.memory_space<hbm>> -> memref<80x4xf32, #tpu.memory_space<hbm>>
        tpu.enqueue_dma source(%dma_start3A_111 : memref<80x4xf32, #tpu.memory_space<hbm>>) target(%dma_start3A_109 : memref<80x4xf32, #tpu.memory_space<vmem>>) target_semaphore(%arg16 : memref<!tpu.dma_semaphore, #tpu.memory_space<semaphore_mem>>)
        %dma_start3A_112 = arith.constant 0 : i32
        %dma_start3A_113 = arith.constant 0 : i32
        %dma_start3A_114 = arith.constant 0 : i32
        %dma_start3A_115 = tpu.memref_slice %arg12[%dma_start3A_112, %dma_start3A_113, %dma_start3A_114] : memref<2x80x16xf32, #tpu.memory_space<vmem>> -> memref<1x80x16xf32, #tpu.memory_space<vmem>>
        %dma_start3A_116 = tpu.memref_squeeze %dma_start3A_115 : memref<1x80x16xf32, #tpu.memory_space<vmem>> -> memref<80x16xf32, #tpu.memory_space<vmem>>
        %dma_start3A_117 = arith.constant 0 : i32
        %dma_start3A_118 = tpu.memref_slice %arg9[%add3A_95, %dma_start3A_117] : memref<125x80xi32, #tpu.memory_space<vmem>> -> memref<1x80xi32, #tpu.memory_space<vmem>>
        %dma_start3A_119 = tpu.memref_squeeze %dma_start3A_118 : memref<1x80xi32, #tpu.memory_space<vmem>> -> memref<80xi32, #tpu.memory_space<vmem>>
        %dma_start3A_120 = arith.constant 0 : i32
        %dma_start3A_121 = arith.constant 0 : i32
        %dma_start3A_122 = tpu.memref_slice %arg5[%dma_start3A_120, %dma_start3A_121] : memref<10240x16xf32, #tpu.memory_space<hbm>> -> memref<10240x16xf32, #tpu.memory_space<hbm>>
        tpu.enqueue_indirect_dma source(%dma_start3A_122 : memref<10240x16xf32, #tpu.memory_space<hbm>>) target(%dma_start3A_116 : memref<80x16xf32, #tpu.memory_space<vmem>>) offsets(%dma_start3A_119 : memref<80xi32, #tpu.memory_space<vmem>>) semaphore(%arg16 : memref<!tpu.dma_semaphore, #tpu.memory_space<semaphore_mem>>)
        %dma_start3A_123 = arith.constant 0 : i32
        %dma_start3A_124 = arith.constant 0 : i32
        %dma_start3A_125 = arith.constant 0 : i32
        %dma_start3A_126 = tpu.memref_slice %arg14[%dma_start3A_123, %dma_start3A_124, %dma_start3A_125] : memref<2x80x128xf32, #tpu.memory_space<vmem>> -> memref<1x80x128xf32, #tpu.memory_space<vmem>>
        %dma_start3A_127 = tpu.memref_squeeze %dma_start3A_126 : memref<1x80x128xf32, #tpu.memory_space<vmem>> -> memref<80x128xf32, #tpu.memory_space<vmem>>
        %dma_start3A_128 = arith.constant 0 : i32
        %dma_start3A_129 = tpu.memref_slice %arg10[%add3A_95, %dma_start3A_128] : memref<125x80xi32, #tpu.memory_space<vmem>> -> memref<1x80xi32, #tpu.memory_space<vmem>>
        %dma_start3A_130 = tpu.memref_squeeze %dma_start3A_129 : memref<1x80xi32, #tpu.memory_space<vmem>> -> memref<80xi32, #tpu.memory_space<vmem>>
        %dma_start3A_131 = arith.constant 0 : i32
        %dma_start3A_132 = arith.constant 0 : i32
        %dma_start3A_133 = tpu.memref_slice %arg6[%dma_start3A_131, %dma_start3A_132] : memref<10000x128xf32, #tpu.memory_space<hbm>> -> memref<10000x128xf32, #tpu.memory_space<hbm>>
        tpu.enqueue_indirect_dma source(%dma_start3A_133 : memref<10000x128xf32, #tpu.memory_space<hbm>>) target(%dma_start3A_127 : memref<80x128xf32, #tpu.memory_space<vmem>>) offsets(%dma_start3A_130 : memref<80xi32, #tpu.memory_space<vmem>>) semaphore(%arg16 : memref<!tpu.dma_semaphore, #tpu.memory_space<semaphore_mem>>)
      } else {
      }
      %scan3A_86 = arith.constant 0 : i32
      %scan3A_87 = arith.constant 0 : i32
      %scan3A_88 = arith.constant 5 : i32
      %scan3A_89 = arith.addi %scan3A_87, %scan3A_88 : i32
      %scan3A_90 = arith.constant 1 : i32
      scf.for %scan3A_94 = %scan3A_87 to %scan3A_89 step %scan3A_90  : i32 {
        %mul3A_95 = arith.constant 16 : i32
        %mul3A_96 = arith.muli %scan3A_94, %mul3A_95 : i32
        %add3A_97 = vector.broadcast %mul3A_96 : i32 to vector<16xi32>
        %add3A_98 = arith.addi %add3A_97, %iota3A : vector<16xi32>
        %broadcast_in_dim3A = arith.constant 0.000000e+00 : f32
        %broadcast_in_dim3A_99 = vector.broadcast %broadcast_in_dim3A : f32 to vector<16xf32>
        %broadcast_in_dim3A_100 = arith.constant 0 : i32
        %broadcast_in_dim3A_101 = vector.broadcast %broadcast_in_dim3A_100 : i32 to vector<16xi32>
        %gather3A = arith.constant 0 : i32
        %gather3A_102 = arith.constant 0 : i32
        %gather3A_103 = tpu.memref_slice %arg11[%rem3A_60, %gather3A, %gather3A_102] : memref<2x80x4xf32, #tpu.memory_space<vmem>> -> memref<1x80x4xf32, #tpu.memory_space<vmem>>
        %gather3A_104 = tpu.memref_squeeze %gather3A_103 : memref<1x80x4xf32, #tpu.memory_space<vmem>> -> memref<80x4xf32, #tpu.memory_space<vmem>>
        %gather3A_105 = tpu.vector_load_idx %gather3A_104[%add3A_98, %broadcast_in_dim3A_101] : memref<80x4xf32, #tpu.memory_space<vmem>>[vector<16xi32>, vector<16xi32>], vector<16xf32>,
        %gather3A_106 = arith.constant 0 : i32
        %gather3A_107 = arith.constant 0 : i32
        %gather3A_108 = tpu.memref_slice %arg12[%rem3A_60, %gather3A_106, %gather3A_107] : memref<2x80x16xf32, #tpu.memory_space<vmem>> -> memref<1x80x16xf32, #tpu.memory_space<vmem>>
        %gather3A_109 = tpu.memref_squeeze %gather3A_108 : memref<1x80x16xf32, #tpu.memory_space<vmem>> -> memref<80x16xf32, #tpu.memory_space<vmem>>
        %gather3A_110 = tpu.vector_load_idx %gather3A_109[%add3A_98, %broadcast_in_dim3A_101] : memref<80x16xf32, #tpu.memory_space<vmem>>[vector<16xi32>, vector<16xi32>], vector<16xf32>,
        %mul3A_111 = arith.mulf %gather3A_105, %gather3A_110 : vector<16xf32>
        %add3A_112 = arith.addf %broadcast_in_dim3A_99, %mul3A_111 : vector<16xf32>
        %broadcast_in_dim3A_113 = arith.constant 1 : i32
        %broadcast_in_dim3A_114 = vector.broadcast %broadcast_in_dim3A_113 : i32 to vector<16xi32>
        %gather3A_115 = arith.constant 0 : i32
        %gather3A_116 = arith.constant 0 : i32
        %gather3A_117 = tpu.memref_slice %arg11[%rem3A_60, %gather3A_115, %gather3A_116] : memref<2x80x4xf32, #tpu.memory_space<vmem>> -> memref<1x80x4xf32, #tpu.memory_space<vmem>>
        %gather3A_118 = tpu.memref_squeeze %gather3A_117 : memref<1x80x4xf32, #tpu.memory_space<vmem>> -> memref<80x4xf32, #tpu.memory_space<vmem>>
        %gather3A_119 = tpu.vector_load_idx %gather3A_118[%add3A_98, %broadcast_in_dim3A_114] : memref<80x4xf32, #tpu.memory_space<vmem>>[vector<16xi32>, vector<16xi32>], vector<16xf32>,
        %gather3A_120 = arith.constant 0 : i32
        %gather3A_121 = arith.constant 0 : i32
        %gather3A_122 = tpu.memref_slice %arg12[%rem3A_60, %gather3A_120, %gather3A_121] : memref<2x80x16xf32, #tpu.memory_space<vmem>> -> memref<1x80x16xf32, #tpu.memory_space<vmem>>
        %gather3A_123 = tpu.memref_squeeze %gather3A_122 : memref<1x80x16xf32, #tpu.memory_space<vmem>> -> memref<80x16xf32, #tpu.memory_space<vmem>>
        %gather3A_124 = tpu.vector_load_idx %gather3A_123[%add3A_98, %broadcast_in_dim3A_114] : memref<80x16xf32, #tpu.memory_space<vmem>>[vector<16xi32>, vector<16xi32>], vector<16xf32>,
        %mul3A_125 = arith.mulf %gather3A_119, %gather3A_124 : vector<16xf32>
        %add3A_126 = arith.addf %add3A_112, %mul3A_125 : vector<16xf32>
        %broadcast_in_dim3A_127 = arith.constant 2 : i32
        %broadcast_in_dim3A_128 = vector.broadcast %broadcast_in_dim3A_127 : i32 to vector<16xi32>
        %gather3A_129 = arith.constant 0 : i32
        %gather3A_130 = arith.constant 0 : i32
        %gather3A_131 = tpu.memref_slice %arg11[%rem3A_60, %gather3A_129, %gather3A_130] : memref<2x80x4xf32, #tpu.memory_space<vmem>> -> memref<1x80x4xf32, #tpu.memory_space<vmem>>
        %gather3A_132 = tpu.memref_squeeze %gather3A_131 : memref<1x80x4xf32, #tpu.memory_space<vmem>> -> memref<80x4xf32, #tpu.memory_space<vmem>>
        %gather3A_133 = tpu.vector_load_idx %gather3A_132[%add3A_98, %broadcast_in_dim3A_128] : memref<80x4xf32, #tpu.memory_space<vmem>>[vector<16xi32>, vector<16xi32>], vector<16xf32>,
        %gather3A_134 = arith.constant 0 : i32
        %gather3A_135 = arith.constant 0 : i32
        %gather3A_136 = tpu.memref_slice %arg12[%rem3A_60, %gather3A_134, %gather3A_135] : memref<2x80x16xf32, #tpu.memory_space<vmem>> -> memref<1x80x16xf32, #tpu.memory_space<vmem>>
        %gather3A_137 = tpu.memref_squeeze %gather3A_136 : memref<1x80x16xf32, #tpu.memory_space<vmem>> -> memref<80x16xf32, #tpu.memory_space<vmem>>
        %gather3A_138 = tpu.vector_load_idx %gather3A_137[%add3A_98, %broadcast_in_dim3A_128] : memref<80x16xf32, #tpu.memory_space<vmem>>[vector<16xi32>, vector<16xi32>], vector<16xf32>,
        %mul3A_139 = arith.mulf %gather3A_133, %gather3A_138 : vector<16xf32>
        %add3A_140 = arith.addf %add3A_126, %mul3A_139 : vector<16xf32>
        %broadcast_in_dim3A_141 = arith.constant 3 : i32
        %broadcast_in_dim3A_142 = vector.broadcast %broadcast_in_dim3A_141 : i32 to vector<16xi32>
        %gather3A_143 = arith.constant 0 : i32
        %gather3A_144 = arith.constant 0 : i32
        %gather3A_145 = tpu.memref_slice %arg11[%rem3A_60, %gather3A_143, %gather3A_144] : memref<2x80x4xf32, #tpu.memory_space<vmem>> -> memref<1x80x4xf32, #tpu.memory_space<vmem>>
        %gather3A_146 = tpu.memref_squeeze %gather3A_145 : memref<1x80x4xf32, #tpu.memory_space<vmem>> -> memref<80x4xf32, #tpu.memory_space<vmem>>
        %gather3A_147 = tpu.vector_load_idx %gather3A_146[%add3A_98, %broadcast_in_dim3A_142] : memref<80x4xf32, #tpu.memory_space<vmem>>[vector<16xi32>, vector<16xi32>], vector<16xf32>,
        %gather3A_148 = arith.constant 0 : i32
        %gather3A_149 = arith.constant 0 : i32
        %gather3A_150 = tpu.memref_slice %arg12[%rem3A_60, %gather3A_148, %gather3A_149] : memref<2x80x16xf32, #tpu.memory_space<vmem>> -> memref<1x80x16xf32, #tpu.memory_space<vmem>>
        %gather3A_151 = tpu.memref_squeeze %gather3A_150 : memref<1x80x16xf32, #tpu.memory_space<vmem>> -> memref<80x16xf32, #tpu.memory_space<vmem>>
        %gather3A_152 = tpu.vector_load_idx %gather3A_151[%add3A_98, %broadcast_in_dim3A_142] : memref<80x16xf32, #tpu.memory_space<vmem>>[vector<16xi32>, vector<16xi32>], vector<16xf32>,
        %mul3A_153 = arith.mulf %gather3A_147, %gather3A_152 : vector<16xf32>
        %add3A_154 = arith.addf %add3A_140, %mul3A_153 : vector<16xf32>
        %mul3A_155 = arith.constant 2.500000e-01 : f32
        %mul3A_156 = vector.broadcast %mul3A_155 : f32 to vector<16xf32>
        %mul3A_157 = arith.mulf %add3A_154, %mul3A_156 : vector<16xf32>
        %mul3A_158 = arith.constant 16 : i32
        %mul3A_159 = arith.muli %scan3A_94, %mul3A_158 : i32
        %swap3A = arith.index_cast %mul3A_159 : i32 to index
        %swap3A_160 = tpu.vector_load %arg13[%swap3A] {strides = array<i32>} : memref<80xf32, #tpu.memory_space<vmem>>, vector<16xf32>,
        tpu.vector_store %arg13[%swap3A], %mul3A_157 {strides = array<i32>} : memref<80xf32, #tpu.memory_space<vmem>>, vector<16xf32>,
      }
      %scan3A_91 = arith.constant 5 : i32
      %parallel_loop3A = arith.constant 0 : i32
      %parallel_loop3A_92 = arith.constant 80 : i32
      %parallel_loop3A_93 = arith.constant 1 : i32
      scf.for %parallel_loop3A_94 = %parallel_loop3A to %parallel_loop3A_92 step %parallel_loop3A_93  : i32 {
        %parallel_loop3A_95 = vector.broadcast %parallel_loop3A_94 : i32 to vector<16xi32>
        %parallel_loop3A_96 = tpu.vector_load_idx %arg13[%parallel_loop3A_95] : memref<80xf32, #tpu.memory_space<vmem>>[vector<16xi32>], vector<16xf32>,
        %parallel_loop3A_97 = arith.index_cast %rem3A_60 : i32 to index
        %parallel_loop3A_98 = arith.index_cast %parallel_loop3A_94 : i32 to index
        %parallel_loop3A_99 = arith.constant 0 : index
        %parallel_loop3A_100 = tpu.vector_load %arg14[%parallel_loop3A_97, %parallel_loop3A_98, %parallel_loop3A_99] {strides = array<i32>} : memref<2x80x128xf32, #tpu.memory_space<vmem>>, vector<16xf32>,
        %parallel_loop3A_101 = arith.mulf %parallel_loop3A_100, %parallel_loop3A_96 : vector<16xf32>
        %parallel_loop3A_102 = arith.index_cast %rem3A_60 : i32 to index
        %parallel_loop3A_103 = arith.index_cast %parallel_loop3A_94 : i32 to index
        %parallel_loop3A_104 = arith.constant 0 : index
        %parallel_loop3A_105 = tpu.vector_load %arg14[%parallel_loop3A_102, %parallel_loop3A_103, %parallel_loop3A_104] {strides = array<i32>} : memref<2x80x128xf32, #tpu.memory_space<vmem>>, vector<16xf32>,
        tpu.vector_store %arg14[%parallel_loop3A_102, %parallel_loop3A_103, %parallel_loop3A_104], %parallel_loop3A_101 {strides = array<i32>} : memref<2x80x128xf32, #tpu.memory_space<vmem>>, vector<16xf32>,
        %parallel_loop3A_106 = arith.index_cast %rem3A_60 : i32 to index
        %parallel_loop3A_107 = arith.index_cast %parallel_loop3A_94 : i32 to index
        %parallel_loop3A_108 = arith.constant 16 : index
        %parallel_loop3A_109 = tpu.vector_load %arg14[%parallel_loop3A_106, %parallel_loop3A_107, %parallel_loop3A_108] {strides = array<i32>} : memref<2x80x128xf32, #tpu.memory_space<vmem>>, vector<16xf32>,
        %parallel_loop3A_110 = arith.mulf %parallel_loop3A_109, %parallel_loop3A_96 : vector<16xf32>
        %parallel_loop3A_111 = arith.index_cast %rem3A_60 : i32 to index
        %parallel_loop3A_112 = arith.index_cast %parallel_loop3A_94 : i32 to index
        %parallel_loop3A_113 = arith.constant 16 : index
        %parallel_loop3A_114 = tpu.vector_load %arg14[%parallel_loop3A_111, %parallel_loop3A_112, %parallel_loop3A_113] {strides = array<i32>} : memref<2x80x128xf32, #tpu.memory_space<vmem>>, vector<16xf32>,
        tpu.vector_store %arg14[%parallel_loop3A_111, %parallel_loop3A_112, %parallel_loop3A_113], %parallel_loop3A_110 {strides = array<i32>} : memref<2x80x128xf32, #tpu.memory_space<vmem>>, vector<16xf32>,
        %parallel_loop3A_115 = arith.index_cast %rem3A_60 : i32 to index
        %parallel_loop3A_116 = arith.index_cast %parallel_loop3A_94 : i32 to index
        %parallel_loop3A_117 = arith.constant 32 : index
        %parallel_loop3A_118 = tpu.vector_load %arg14[%parallel_loop3A_115, %parallel_loop3A_116, %parallel_loop3A_117] {strides = array<i32>} : memref<2x80x128xf32, #tpu.memory_space<vmem>>, vector<16xf32>,
        %parallel_loop3A_119 = arith.mulf %parallel_loop3A_118, %parallel_loop3A_96 : vector<16xf32>
        %parallel_loop3A_120 = arith.index_cast %rem3A_60 : i32 to index
        %parallel_loop3A_121 = arith.index_cast %parallel_loop3A_94 : i32 to index
        %parallel_loop3A_122 = arith.constant 32 : index
        %parallel_loop3A_123 = tpu.vector_load %arg14[%parallel_loop3A_120, %parallel_loop3A_121, %parallel_loop3A_122] {strides = array<i32>} : memref<2x80x128xf32, #tpu.memory_space<vmem>>, vector<16xf32>,
        tpu.vector_store %arg14[%parallel_loop3A_120, %parallel_loop3A_121, %parallel_loop3A_122], %parallel_loop3A_119 {strides = array<i32>} : memref<2x80x128xf32, #tpu.memory_space<vmem>>, vector<16xf32>,
        %parallel_loop3A_124 = arith.index_cast %rem3A_60 : i32 to index
        %parallel_loop3A_125 = arith.index_cast %parallel_loop3A_94 : i32 to index
        %parallel_loop3A_126 = arith.constant 48 : index
        %parallel_loop3A_127 = tpu.vector_load %arg14[%parallel_loop3A_124, %parallel_loop3A_125, %parallel_loop3A_126] {strides = array<i32>} : memref<2x80x128xf32, #tpu.memory_space<vmem>>, vector<16xf32>,
        %parallel_loop3A_128 = arith.mulf %parallel_loop3A_127, %parallel_loop3A_96 : vector<16xf32>
        %parallel_loop3A_129 = arith.index_cast %rem3A_60 : i32 to index
        %parallel_loop3A_130 = arith.index_cast %parallel_loop3A_94 : i32 to index
        %parallel_loop3A_131 = arith.constant 48 : index
        %parallel_loop3A_132 = tpu.vector_load %arg14[%parallel_loop3A_129, %parallel_loop3A_130, %parallel_loop3A_131] {strides = array<i32>} : memref<2x80x128xf32, #tpu.memory_space<vmem>>, vector<16xf32>,
        tpu.vector_store %arg14[%parallel_loop3A_129, %parallel_loop3A_130, %parallel_loop3A_131], %parallel_loop3A_128 {strides = array<i32>} : memref<2x80x128xf32, #tpu.memory_space<vmem>>, vector<16xf32>,
        %parallel_loop3A_133 = arith.index_cast %rem3A_60 : i32 to index
        %parallel_loop3A_134 = arith.index_cast %parallel_loop3A_94 : i32 to index
        %parallel_loop3A_135 = arith.constant 64 : index
        %parallel_loop3A_136 = tpu.vector_load %arg14[%parallel_loop3A_133, %parallel_loop3A_134, %parallel_loop3A_135] {strides = array<i32>} : memref<2x80x128xf32, #tpu.memory_space<vmem>>, vector<16xf32>,
        %parallel_loop3A_137 = arith.mulf %parallel_loop3A_136, %parallel_loop3A_96 : vector<16xf32>
        %parallel_loop3A_138 = arith.index_cast %rem3A_60 : i32 to index
        %parallel_loop3A_139 = arith.index_cast %parallel_loop3A_94 : i32 to index
        %parallel_loop3A_140 = arith.constant 64 : index
        %parallel_loop3A_141 = tpu.vector_load %arg14[%parallel_loop3A_138, %parallel_loop3A_139, %parallel_loop3A_140] {strides = array<i32>} : memref<2x80x128xf32, #tpu.memory_space<vmem>>, vector<16xf32>,
        tpu.vector_store %arg14[%parallel_loop3A_138, %parallel_loop3A_139, %parallel_loop3A_140], %parallel_loop3A_137 {strides = array<i32>} : memref<2x80x128xf32, #tpu.memory_space<vmem>>, vector<16xf32>,
        %parallel_loop3A_142 = arith.index_cast %rem3A_60 : i32 to index
        %parallel_loop3A_143 = arith.index_cast %parallel_loop3A_94 : i32 to index
        %parallel_loop3A_144 = arith.constant 80 : index
        %parallel_loop3A_145 = tpu.vector_load %arg14[%parallel_loop3A_142, %parallel_loop3A_143, %parallel_loop3A_144] {strides = array<i32>} : memref<2x80x128xf32, #tpu.memory_space<vmem>>, vector<16xf32>,
        %parallel_loop3A_146 = arith.mulf %parallel_loop3A_145, %parallel_loop3A_96 : vector<16xf32>
        %parallel_loop3A_147 = arith.index_cast %rem3A_60 : i32 to index
        %parallel_loop3A_148 = arith.index_cast %parallel_loop3A_94 : i32 to index
        %parallel_loop3A_149 = arith.constant 80 : index
        %parallel_loop3A_150 = tpu.vector_load %arg14[%parallel_loop3A_147, %parallel_loop3A_148, %parallel_loop3A_149] {strides = array<i32>} : memref<2x80x128xf32, #tpu.memory_space<vmem>>, vector<16xf32>,
        tpu.vector_store %arg14[%parallel_loop3A_147, %parallel_loop3A_148, %parallel_loop3A_149], %parallel_loop3A_146 {strides = array<i32>} : memref<2x80x128xf32, #tpu.memory_space<vmem>>, vector<16xf32>,
        %parallel_loop3A_151 = arith.index_cast %rem3A_60 : i32 to index
        %parallel_loop3A_152 = arith.index_cast %parallel_loop3A_94 : i32 to index
        %parallel_loop3A_153 = arith.constant 96 : index
        %parallel_loop3A_154 = tpu.vector_load %arg14[%parallel_loop3A_151, %parallel_loop3A_152, %parallel_loop3A_153] {strides = array<i32>} : memref<2x80x128xf32, #tpu.memory_space<vmem>>, vector<16xf32>,
        %parallel_loop3A_155 = arith.mulf %parallel_loop3A_154, %parallel_loop3A_96 : vector<16xf32>
        %parallel_loop3A_156 = arith.index_cast %rem3A_60 : i32 to index
        %parallel_loop3A_157 = arith.index_cast %parallel_loop3A_94 : i32 to index
        %parallel_loop3A_158 = arith.constant 96 : index
        %parallel_loop3A_159 = tpu.vector_load %arg14[%parallel_loop3A_156, %parallel_loop3A_157, %parallel_loop3A_158] {strides = array<i32>} : memref<2x80x128xf32, #tpu.memory_space<vmem>>, vector<16xf32>,
        tpu.vector_store %arg14[%parallel_loop3A_156, %parallel_loop3A_157, %parallel_loop3A_158], %parallel_loop3A_155 {strides = array<i32>} : memref<2x80x128xf32, #tpu.memory_space<vmem>>, vector<16xf32>,
        %parallel_loop3A_160 = arith.index_cast %rem3A_60 : i32 to index
        %parallel_loop3A_161 = arith.index_cast %parallel_loop3A_94 : i32 to index
        %parallel_loop3A_162 = arith.constant 112 : index
        %parallel_loop3A_163 = tpu.vector_load %arg14[%parallel_loop3A_160, %parallel_loop3A_161, %parallel_loop3A_162] {strides = array<i32>} : memref<2x80x128xf32, #tpu.memory_space<vmem>>, vector<16xf32>,
        %parallel_loop3A_164 = arith.mulf %parallel_loop3A_163, %parallel_loop3A_96 : vector<16xf32>
        %parallel_loop3A_165 = arith.index_cast %rem3A_60 : i32 to index
        %parallel_loop3A_166 = arith.index_cast %parallel_loop3A_94 : i32 to index
        %parallel_loop3A_167 = arith.constant 112 : index
        %parallel_loop3A_168 = tpu.vector_load %arg14[%parallel_loop3A_165, %parallel_loop3A_166, %parallel_loop3A_167] {strides = array<i32>} : memref<2x80x128xf32, #tpu.memory_space<vmem>>, vector<16xf32>,
        tpu.vector_store %arg14[%parallel_loop3A_165, %parallel_loop3A_166, %parallel_loop3A_167], %parallel_loop3A_164 {strides = array<i32>} : memref<2x80x128xf32, #tpu.memory_space<vmem>>, vector<16xf32>,
      } {sc.loop_unroll_factor = 4 : i64, sc.parallel_access}
      "tpu.region"() ({
        %run_scoped3A = tpu.sem_alloc : memref<!tpu.dma_semaphore, #tpu.memory_space<semaphore_mem>>
        %dma_start3A_94 = arith.constant 0 : i32
        %dma_start3A_95 = arith.constant 0 : i32
        %dma_start3A_96 = tpu.memref_slice %arg14[%rem3A_60, %dma_start3A_94, %dma_start3A_95] : memref<2x80x128xf32, #tpu.memory_space<vmem>> -> memref<1x80x128xf32, #tpu.memory_space<vmem>>
        %dma_start3A_97 = tpu.memref_squeeze %dma_start3A_96 : memref<1x80x128xf32, #tpu.memory_space<vmem>> -> memref<80x128xf32, #tpu.memory_space<vmem>>
        %dma_start3A_98 = arith.constant 0 : i32
        %dma_start3A_99 = tpu.memref_slice %arg9[%scan3A_59, %dma_start3A_98] : memref<125x80xi32, #tpu.memory_space<vmem>> -> memref<1x80xi32, #tpu.memory_space<vmem>>
        %dma_start3A_100 = tpu.memref_squeeze %dma_start3A_99 : memref<1x80xi32, #tpu.memory_space<vmem>> -> memref<80xi32, #tpu.memory_space<vmem>>
        %dma_start3A_101 = arith.constant 0 : i32
        %dma_start3A_102 = arith.constant 0 : i32
        %dma_start3A_103 = tpu.memref_slice %arg15[%dma_start3A_101, %dma_start3A_102] : memref<10240x128xf32, #tpu.memory_space<vmem_shared>> -> memref<10240x128xf32, #tpu.memory_space<vmem_shared>>
        tpu.enqueue_indirect_dma source(%dma_start3A_97 : memref<80x128xf32, #tpu.memory_space<vmem>>) target(%dma_start3A_103 : memref<10240x128xf32, #tpu.memory_space<vmem_shared>>) offsets(%dma_start3A_100 : memref<80xi32, #tpu.memory_space<vmem>>) semaphore(%run_scoped3A : memref<!tpu.dma_semaphore, #tpu.memory_space<semaphore_mem>>) {add = true}
        %dma_wait3A = arith.constant 0 : i32
        %dma_wait3A_104 = arith.constant 0 : i32
        %dma_wait3A_105 = tpu.memref_slice %arg14[%rem3A_60, %dma_wait3A, %dma_wait3A_104] : memref<2x80x128xf32, #tpu.memory_space<vmem>> -> memref<1x80x128xf32, #tpu.memory_space<vmem>>
        %dma_wait3A_106 = tpu.memref_squeeze %dma_wait3A_105 : memref<1x80x128xf32, #tpu.memory_space<vmem>> -> memref<80x128xf32, #tpu.memory_space<vmem>>
        %dma_wait3A_107 = arith.constant 0 : i32
        %dma_wait3A_108 = tpu.memref_slice %arg9[%scan3A_59, %dma_wait3A_107] : memref<125x80xi32, #tpu.memory_space<vmem>> -> memref<1x80xi32, #tpu.memory_space<vmem>>
        %dma_wait3A_109 = tpu.memref_squeeze %dma_wait3A_108 : memref<1x80xi32, #tpu.memory_space<vmem>> -> memref<80xi32, #tpu.memory_space<vmem>>
        %dma_wait3A_110 = arith.constant 0 : i32
        %dma_wait3A_111 = arith.constant 0 : i32
        %dma_wait3A_112 = tpu.memref_slice %arg15[%dma_wait3A_110, %dma_wait3A_111] : memref<10240x128xf32, #tpu.memory_space<vmem_shared>> -> memref<10240x128xf32, #tpu.memory_space<vmem_shared>>
        tpu.wait_indirect_dma semaphore(%run_scoped3A : memref<!tpu.dma_semaphore, #tpu.memory_space<semaphore_mem>>) src(%dma_wait3A_106 : memref<80x128xf32, #tpu.memory_space<vmem>>) dst(%dma_wait3A_112 : memref<10240x128xf32, #tpu.memory_space<vmem_shared>>)
        tpu.yield
      }) : () -> ()
    }
    %scan3A_53 = arith.constant 125 : i32
    %barrier3A_54 = arith.constant 0 : index
    tpu.barrier barrier_id(%barrier3A_54)
    %mul3A_55 = arith.constant 640 : i32
    %mul3A_56 = arith.muli %arg1, %mul3A_55 : i32
    %mul3A_57 = arith.constant 640 : i32
    %mul3A_58 = arith.muli %arg1, %mul3A_57 : i32
    "tpu.region"() ({
      %run_scoped3A = tpu.sem_alloc : memref<!tpu.dma_semaphore, #tpu.memory_space<semaphore_mem>>
      %dma_start3A_59 = arith.constant 0 : i32
      %dma_start3A_60 = tpu.memref_slice %arg8[%arg0, %mul3A_58, %dma_start3A_59] : memref<2x10240x128xf32, #tpu.memory_space<hbm>> -> memref<1x640x128xf32, #tpu.memory_space<hbm>>
      %dma_start3A_61 = tpu.memref_squeeze %dma_start3A_60 : memref<1x640x128xf32, #tpu.memory_space<hbm>> -> memref<640x128xf32, #tpu.memory_space<hbm>>
      %dma_start3A_62 = arith.constant 0 : i32
      %dma_start3A_63 = tpu.memref_slice %arg15[%mul3A_56, %dma_start3A_62] : memref<10240x128xf32, #tpu.memory_space<vmem_shared>> -> memref<640x128xf32, #tpu.memory_space<vmem_shared>>
      tpu.enqueue_dma source(%dma_start3A_63 : memref<640x128xf32, #tpu.memory_space<vmem_shared>>) target(%dma_start3A_61 : memref<640x128xf32, #tpu.memory_space<hbm>>) target_semaphore(%run_scoped3A : memref<!tpu.dma_semaphore, #tpu.memory_space<semaphore_mem>>)
      %dma_wait3A = arith.constant 0 : i32
      %dma_wait3A_64 = tpu.memref_slice %arg8[%arg0, %mul3A_58, %dma_wait3A] : memref<2x10240x128xf32, #tpu.memory_space<hbm>> -> memref<1x640x128xf32, #tpu.memory_space<hbm>>
      %dma_wait3A_65 = tpu.memref_squeeze %dma_wait3A_64 : memref<1x640x128xf32, #tpu.memory_space<hbm>> -> memref<640x128xf32, #tpu.memory_space<hbm>>
      %dma_wait3A_66 = arith.constant 0 : i32
      %dma_wait3A_67 = tpu.memref_slice %arg15[%mul3A_56, %dma_wait3A_66] : memref<10240x128xf32, #tpu.memory_space<vmem_shared>> -> memref<640x128xf32, #tpu.memory_space<vmem_shared>>
      tpu.wait_dma2 semaphore(%run_scoped3A : memref<!tpu.dma_semaphore, #tpu.memory_space<semaphore_mem>>) src(%dma_wait3A_67 : memref<640x128xf32, #tpu.memory_space<vmem_shared>>) dst(%dma_wait3A_65 : memref<640x128xf32, #tpu.memory_space<hbm>>)
      tpu.yield
    }) : () -> ()
    return
  }
}

#map = affine_map<(d0, d1) -> (0, 0)>
#map1 = affine_map<(d0, d1) -> (0, 0, 0)>
module attributes {stable_mosaic.version = 14 : i64} {
  func.func @_pass1(%arg0: i32, %arg1: i32, %arg2: memref<10000x16xf32, #tpu.memory_space<hbm>>, %arg3: memref<10000x16xf32, #tpu.memory_space<hbm>>, %arg4: memref<4000x80xi32, #tpu.memory_space<hbm>>, %arg5: memref<4000x80xi32, #tpu.memory_space<hbm>>, %arg6: memref<10240x16xf32, #tpu.memory_space<hbm>>, %arg7: memref<320000x4xf32, #tpu.memory_space<hbm>>, %arg8: memref<2x10240x16xf32, #tpu.memory_space<hbm>>, %arg9: memref<125x80xi32, #tpu.memory_space<vmem>>, %arg10: memref<125x80xi32, #tpu.memory_space<vmem>>, %arg11: memref<2x80x16xf32, #tpu.memory_space<vmem>>, %arg12: memref<2x80x16xf32, #tpu.memory_space<vmem>>, %arg13: memref<2x80x4xf32, #tpu.memory_space<vmem>>, %arg14: memref<2x80x16xf32, #tpu.memory_space<vmem>>, %arg15: memref<10240x16xf32, #tpu.memory_space<vmem_shared>>, %arg16: memref<!tpu.dma_semaphore, #tpu.memory_space<semaphore_mem>>, %arg17: memref<!tpu.dma_semaphore, #tpu.memory_space<semaphore_mem>>, %arg18: memref<!tpu.dma_semaphore, #tpu.memory_space<semaphore_mem>>, %arg19: memref<!tpu.dma_semaphore, #tpu.memory_space<semaphore_mem>>) attributes {dimension_semantics = [#tpu.dimension_semantics<core_parallel>, #tpu.dimension_semantics<subcore_parallel>], iteration_bounds = array<i64: 2, 16>, scalar_prefetch = 0 : i64, scratch_operands = 11 : i64, tpu.core_type = #tpu.core_type<sc_vector_subcore>, window_params = [{transform_indices = #map}, {transform_indices = #map}, {transform_indices = #map}, {transform_indices = #map}, {transform_indices = #map}, {transform_indices = #map}, {transform_indices = #map1}]} {
    %mul3A = arith.constant 16 : i32
    %mul3A_0 = arith.muli %arg0, %mul3A : i32
    %add3A = arith.addi %mul3A_0, %arg1 : i32
    %mul3A_1 = arith.constant 10000 : i32
    %mul3A_2 = arith.muli %add3A, %mul3A_1 : i32
    %mul3A_3 = arith.constant 640 : i32
    %mul3A_4 = arith.muli %arg1, %mul3A_3 : i32
    %mul3A_5 = arith.constant 640 : i32
    %mul3A_6 = arith.muli %arg1, %mul3A_5 : i32
    "tpu.region"() ({
      %run_scoped3A = tpu.sem_alloc : memref<!tpu.dma_semaphore, #tpu.memory_space<semaphore_mem>>
      %dma_start3A_80 = arith.constant 0 : i32
      %dma_start3A_81 = tpu.memref_slice %arg15[%mul3A_6, %dma_start3A_80] : memref<10240x16xf32, #tpu.memory_space<vmem_shared>> -> memref<640x16xf32, #tpu.memory_space<vmem_shared>>
      %dma_start3A_82 = arith.constant 0 : i32
      %dma_start3A_83 = tpu.memref_slice %arg6[%mul3A_4, %dma_start3A_82] : memref<10240x16xf32, #tpu.memory_space<hbm>> -> memref<640x16xf32, #tpu.memory_space<hbm>>
      tpu.enqueue_dma source(%dma_start3A_83 : memref<640x16xf32, #tpu.memory_space<hbm>>) target(%dma_start3A_81 : memref<640x16xf32, #tpu.memory_space<vmem_shared>>) target_semaphore(%run_scoped3A : memref<!tpu.dma_semaphore, #tpu.memory_space<semaphore_mem>>)
      %dma_wait3A_84 = arith.constant 0 : i32
      %dma_wait3A_85 = tpu.memref_slice %arg15[%mul3A_6, %dma_wait3A_84] : memref<10240x16xf32, #tpu.memory_space<vmem_shared>> -> memref<640x16xf32, #tpu.memory_space<vmem_shared>>
      %dma_wait3A_86 = arith.constant 0 : i32
      %dma_wait3A_87 = tpu.memref_slice %arg6[%mul3A_4, %dma_wait3A_86] : memref<10240x16xf32, #tpu.memory_space<hbm>> -> memref<640x16xf32, #tpu.memory_space<hbm>>
      tpu.wait_dma2 semaphore(%run_scoped3A : memref<!tpu.dma_semaphore, #tpu.memory_space<semaphore_mem>>) src(%dma_wait3A_87 : memref<640x16xf32, #tpu.memory_space<hbm>>) dst(%dma_wait3A_85 : memref<640x16xf32, #tpu.memory_space<vmem_shared>>)
      tpu.yield
    }) : () -> ()
    %mul3A_7 = arith.constant 125 : i32
    %mul3A_8 = arith.muli %add3A, %mul3A_7 : i32
    "tpu.region"() ({
      %run_scoped3A = tpu.sem_alloc : memref<!tpu.dma_semaphore, #tpu.memory_space<semaphore_mem>>
      %dma_start3A_80 = arith.constant 0 : i32
      %dma_start3A_81 = tpu.memref_slice %arg4[%mul3A_8, %dma_start3A_80] : memref<4000x80xi32, #tpu.memory_space<hbm>> -> memref<125x80xi32, #tpu.memory_space<hbm>>
      %dma_start3A_82 = arith.constant 0 : i32
      %dma_start3A_83 = tpu.memref_slice %arg4[%mul3A_8, %dma_start3A_82] : memref<4000x80xi32, #tpu.memory_space<hbm>> -> memref<125x80xi32, #tpu.memory_space<hbm>>
      tpu.enqueue_dma source(%dma_start3A_83 : memref<125x80xi32, #tpu.memory_space<hbm>>) target(%arg9 : memref<125x80xi32, #tpu.memory_space<vmem>>) target_semaphore(%run_scoped3A : memref<!tpu.dma_semaphore, #tpu.memory_space<semaphore_mem>>)
      %dma_wait3A_84 = arith.constant 0 : i32
      %dma_wait3A_85 = tpu.memref_slice %arg4[%mul3A_8, %dma_wait3A_84] : memref<4000x80xi32, #tpu.memory_space<hbm>> -> memref<125x80xi32, #tpu.memory_space<hbm>>
      %dma_wait3A_86 = arith.constant 0 : i32
      %dma_wait3A_87 = tpu.memref_slice %arg4[%mul3A_8, %dma_wait3A_86] : memref<4000x80xi32, #tpu.memory_space<hbm>> -> memref<125x80xi32, #tpu.memory_space<hbm>>
      tpu.wait_dma2 semaphore(%run_scoped3A : memref<!tpu.dma_semaphore, #tpu.memory_space<semaphore_mem>>) src(%dma_wait3A_87 : memref<125x80xi32, #tpu.memory_space<hbm>>) dst(%arg9 : memref<125x80xi32, #tpu.memory_space<vmem>>)
      tpu.yield
    }) : () -> ()
    %mul3A_9 = arith.constant 125 : i32
    %mul3A_10 = arith.muli %add3A, %mul3A_9 : i32
    "tpu.region"() ({
      %run_scoped3A = tpu.sem_alloc : memref<!tpu.dma_semaphore, #tpu.memory_space<semaphore_mem>>
      %dma_start3A_80 = arith.constant 0 : i32
      %dma_start3A_81 = tpu.memref_slice %arg5[%mul3A_10, %dma_start3A_80] : memref<4000x80xi32, #tpu.memory_space<hbm>> -> memref<125x80xi32, #tpu.memory_space<hbm>>
      %dma_start3A_82 = arith.constant 0 : i32
      %dma_start3A_83 = tpu.memref_slice %arg5[%mul3A_10, %dma_start3A_82] : memref<4000x80xi32, #tpu.memory_space<hbm>> -> memref<125x80xi32, #tpu.memory_space<hbm>>
      tpu.enqueue_dma source(%dma_start3A_83 : memref<125x80xi32, #tpu.memory_space<hbm>>) target(%arg10 : memref<125x80xi32, #tpu.memory_space<vmem>>) target_semaphore(%run_scoped3A : memref<!tpu.dma_semaphore, #tpu.memory_space<semaphore_mem>>)
      %dma_wait3A_84 = arith.constant 0 : i32
      %dma_wait3A_85 = tpu.memref_slice %arg5[%mul3A_10, %dma_wait3A_84] : memref<4000x80xi32, #tpu.memory_space<hbm>> -> memref<125x80xi32, #tpu.memory_space<hbm>>
      %dma_wait3A_86 = arith.constant 0 : i32
      %dma_wait3A_87 = tpu.memref_slice %arg5[%mul3A_10, %dma_wait3A_86] : memref<4000x80xi32, #tpu.memory_space<hbm>> -> memref<125x80xi32, #tpu.memory_space<hbm>>
      tpu.wait_dma2 semaphore(%run_scoped3A : memref<!tpu.dma_semaphore, #tpu.memory_space<semaphore_mem>>) src(%dma_wait3A_87 : memref<125x80xi32, #tpu.memory_space<hbm>>) dst(%arg10 : memref<125x80xi32, #tpu.memory_space<vmem>>)
      tpu.yield
    }) : () -> ()
    %broadcast_in_dim3A = arith.constant 0.000000e+00 : f32
    %broadcast_in_dim3A_11 = vector.broadcast %broadcast_in_dim3A : f32 to vector<16xf32>
    %scan3A = arith.constant 0 : i32
    %scan3A_12 = arith.constant 0 : i32
    %scan3A_13 = arith.constant 80 : i32
    %scan3A_14 = arith.addi %scan3A_12, %scan3A_13 : i32
    %scan3A_15 = arith.constant 1 : i32
    scf.for %scan3A_80 = %scan3A_12 to %scan3A_14 step %scan3A_15  : i32 {
      %swap3A = arith.constant 0 : i32
      %swap3A_81 = arith.index_cast %swap3A : i32 to index
      %swap3A_82 = arith.index_cast %scan3A_80 : i32 to index
      %swap3A_83 = arith.constant 0 : index
      %swap3A_84 = tpu.vector_load %arg14[%swap3A_81, %swap3A_82, %swap3A_83] {strides = array<i32>} : memref<2x80x16xf32, #tpu.memory_space<vmem>>, vector<16xf32>,
      tpu.vector_store %arg14[%swap3A_81, %swap3A_82, %swap3A_83], %broadcast_in_dim3A_11 {strides = array<i32>} : memref<2x80x16xf32, #tpu.memory_space<vmem>>, vector<16xf32>,
      %swap3A_85 = arith.constant 1 : i32
      %swap3A_86 = arith.index_cast %swap3A_85 : i32 to index
      %swap3A_87 = arith.index_cast %scan3A_80 : i32 to index
      %swap3A_88 = arith.constant 0 : index
      %swap3A_89 = tpu.vector_load %arg14[%swap3A_86, %swap3A_87, %swap3A_88] {strides = array<i32>} : memref<2x80x16xf32, #tpu.memory_space<vmem>>, vector<16xf32>,
      tpu.vector_store %arg14[%swap3A_86, %swap3A_87, %swap3A_88], %broadcast_in_dim3A_11 {strides = array<i32>} : memref<2x80x16xf32, #tpu.memory_space<vmem>>, vector<16xf32>,
    }
    %scan3A_16 = arith.constant 80 : i32
    %barrier3A = arith.constant 0 : index
    tpu.barrier barrier_id(%barrier3A)
    %iota3A = tpu.iota {dimensions = array<i32: 0>} : vector<16xi32>
    %shift_right_logical3A = arith.constant 2 : i32
    %shift_right_logical3A_17 = vector.broadcast %shift_right_logical3A : i32 to vector<16xi32>
    %shift_right_logical3A_18 = arith.shrui %iota3A, %shift_right_logical3A_17 : vector<16xi32>
    %and3A = arith.constant 3 : i32
    %and3A_19 = vector.broadcast %and3A : i32 to vector<16xi32>
    %and3A_20 = arith.andi %iota3A, %and3A_19 : vector<16xi32>
    %dma_start3A = arith.constant 0 : i32
    %dma_start3A_21 = arith.constant 0 : i32
    %dma_start3A_22 = arith.constant 0 : i32
    %dma_start3A_23 = arith.constant 0 : i32
    %dma_start3A_24 = tpu.memref_slice %arg11[%dma_start3A_21, %dma_start3A_22, %dma_start3A_23] : memref<2x80x16xf32, #tpu.memory_space<vmem>> -> memref<1x80x16xf32, #tpu.memory_space<vmem>>
    %dma_start3A_25 = tpu.memref_squeeze %dma_start3A_24 : memref<1x80x16xf32, #tpu.memory_space<vmem>> -> memref<80x16xf32, #tpu.memory_space<vmem>>
    %dma_start3A_26 = arith.constant 0 : i32
    %dma_start3A_27 = tpu.memref_slice %arg9[%dma_start3A, %dma_start3A_26] : memref<125x80xi32, #tpu.memory_space<vmem>> -> memref<1x80xi32, #tpu.memory_space<vmem>>
    %dma_start3A_28 = tpu.memref_squeeze %dma_start3A_27 : memref<1x80xi32, #tpu.memory_space<vmem>> -> memref<80xi32, #tpu.memory_space<vmem>>
    %dma_start3A_29 = arith.constant 0 : i32
    %dma_start3A_30 = arith.constant 0 : i32
    %dma_start3A_31 = tpu.memref_slice %arg2[%dma_start3A_29, %dma_start3A_30] : memref<10000x16xf32, #tpu.memory_space<hbm>> -> memref<10000x16xf32, #tpu.memory_space<hbm>>
    tpu.enqueue_indirect_dma source(%dma_start3A_31 : memref<10000x16xf32, #tpu.memory_space<hbm>>) target(%dma_start3A_25 : memref<80x16xf32, #tpu.memory_space<vmem>>) offsets(%dma_start3A_28 : memref<80xi32, #tpu.memory_space<vmem>>) semaphore(%arg16 : memref<!tpu.dma_semaphore, #tpu.memory_space<semaphore_mem>>)
    %dma_start3A_32 = arith.constant 0 : i32
    %dma_start3A_33 = arith.constant 0 : i32
    %dma_start3A_34 = arith.constant 0 : i32
    %dma_start3A_35 = arith.constant 0 : i32
    %dma_start3A_36 = tpu.memref_slice %arg12[%dma_start3A_33, %dma_start3A_34, %dma_start3A_35] : memref<2x80x16xf32, #tpu.memory_space<vmem>> -> memref<1x80x16xf32, #tpu.memory_space<vmem>>
    %dma_start3A_37 = tpu.memref_squeeze %dma_start3A_36 : memref<1x80x16xf32, #tpu.memory_space<vmem>> -> memref<80x16xf32, #tpu.memory_space<vmem>>
    %dma_start3A_38 = arith.constant 0 : i32
    %dma_start3A_39 = tpu.memref_slice %arg10[%dma_start3A_32, %dma_start3A_38] : memref<125x80xi32, #tpu.memory_space<vmem>> -> memref<1x80xi32, #tpu.memory_space<vmem>>
    %dma_start3A_40 = tpu.memref_squeeze %dma_start3A_39 : memref<1x80xi32, #tpu.memory_space<vmem>> -> memref<80xi32, #tpu.memory_space<vmem>>
    %dma_start3A_41 = arith.constant 0 : i32
    %dma_start3A_42 = arith.constant 0 : i32
    %dma_start3A_43 = tpu.memref_slice %arg3[%dma_start3A_41, %dma_start3A_42] : memref<10000x16xf32, #tpu.memory_space<hbm>> -> memref<10000x16xf32, #tpu.memory_space<hbm>>
    tpu.enqueue_indirect_dma source(%dma_start3A_43 : memref<10000x16xf32, #tpu.memory_space<hbm>>) target(%dma_start3A_37 : memref<80x16xf32, #tpu.memory_space<vmem>>) offsets(%dma_start3A_40 : memref<80xi32, #tpu.memory_space<vmem>>) semaphore(%arg16 : memref<!tpu.dma_semaphore, #tpu.memory_space<semaphore_mem>>)
    %scan3A_44 = arith.constant 0 : i32
    %scan3A_45 = arith.constant 0 : i32
    %scan3A_46 = arith.constant 125 : i32
    %scan3A_47 = arith.addi %scan3A_45, %scan3A_46 : i32
    %scan3A_48 = arith.constant 1 : i32
    scf.for %scan3A_80 = %scan3A_45 to %scan3A_47 step %scan3A_48  : i32 {
      %rem3A = arith.constant 2 : i32
      %rem3A_81 = arith.remsi %scan3A_80, %rem3A : i32
      %mul3A_82 = arith.constant 80 : i32
      %mul3A_83 = arith.muli %scan3A_80, %mul3A_82 : i32
      %add3A_84 = arith.addi %mul3A_2, %mul3A_83 : i32
      %eq3A = arith.constant 0 : i32
      %eq3A_85 = arith.cmpi eq, %rem3A_81, %eq3A : i32
      %convert_element_type3A = arith.extui %eq3A_85 : i1 to i32
      %cond3A = arith.constant 0 : i32
      %cond3A_86 = arith.cmpi ne, %convert_element_type3A, %cond3A : i32
      scf.if %cond3A_86 {
        %dma_wait3A_138 = arith.constant 0 : i32
        %dma_wait3A_139 = arith.constant 0 : i32
        %dma_wait3A_140 = arith.constant 0 : i32
        %dma_wait3A_141 = tpu.memref_slice %arg11[%dma_wait3A_138, %dma_wait3A_139, %dma_wait3A_140] : memref<2x80x16xf32, #tpu.memory_space<vmem>> -> memref<1x80x16xf32, #tpu.memory_space<vmem>>
        %dma_wait3A_142 = tpu.memref_squeeze %dma_wait3A_141 : memref<1x80x16xf32, #tpu.memory_space<vmem>> -> memref<80x16xf32, #tpu.memory_space<vmem>>
        %dma_wait3A_143 = arith.constant 0 : i32
        %dma_wait3A_144 = tpu.memref_slice %arg9[%scan3A_80, %dma_wait3A_143] : memref<125x80xi32, #tpu.memory_space<vmem>> -> memref<1x80xi32, #tpu.memory_space<vmem>>
        %dma_wait3A_145 = tpu.memref_squeeze %dma_wait3A_144 : memref<1x80xi32, #tpu.memory_space<vmem>> -> memref<80xi32, #tpu.memory_space<vmem>>
        %dma_wait3A_146 = arith.constant 0 : i32
        %dma_wait3A_147 = arith.constant 0 : i32
        %dma_wait3A_148 = tpu.memref_slice %arg2[%dma_wait3A_146, %dma_wait3A_147] : memref<10000x16xf32, #tpu.memory_space<hbm>> -> memref<10000x16xf32, #tpu.memory_space<hbm>>
        tpu.wait_indirect_dma semaphore(%arg16 : memref<!tpu.dma_semaphore, #tpu.memory_space<semaphore_mem>>) src(%dma_wait3A_148 : memref<10000x16xf32, #tpu.memory_space<hbm>>) dst(%dma_wait3A_142 : memref<80x16xf32, #tpu.memory_space<vmem>>)
        %dma_wait3A_149 = arith.constant 0 : i32
        %dma_wait3A_150 = arith.constant 0 : i32
        %dma_wait3A_151 = arith.constant 0 : i32
        %dma_wait3A_152 = tpu.memref_slice %arg12[%dma_wait3A_149, %dma_wait3A_150, %dma_wait3A_151] : memref<2x80x16xf32, #tpu.memory_space<vmem>> -> memref<1x80x16xf32, #tpu.memory_space<vmem>>
        %dma_wait3A_153 = tpu.memref_squeeze %dma_wait3A_152 : memref<1x80x16xf32, #tpu.memory_space<vmem>> -> memref<80x16xf32, #tpu.memory_space<vmem>>
        %dma_wait3A_154 = arith.constant 0 : i32
        %dma_wait3A_155 = tpu.memref_slice %arg10[%scan3A_80, %dma_wait3A_154] : memref<125x80xi32, #tpu.memory_space<vmem>> -> memref<1x80xi32, #tpu.memory_space<vmem>>
        %dma_wait3A_156 = tpu.memref_squeeze %dma_wait3A_155 : memref<1x80xi32, #tpu.memory_space<vmem>> -> memref<80xi32, #tpu.memory_space<vmem>>
        %dma_wait3A_157 = arith.constant 0 : i32
        %dma_wait3A_158 = arith.constant 0 : i32
        %dma_wait3A_159 = tpu.memref_slice %arg3[%dma_wait3A_157, %dma_wait3A_158] : memref<10000x16xf32, #tpu.memory_space<hbm>> -> memref<10000x16xf32, #tpu.memory_space<hbm>>
        tpu.wait_indirect_dma semaphore(%arg16 : memref<!tpu.dma_semaphore, #tpu.memory_space<semaphore_mem>>) src(%dma_wait3A_159 : memref<10000x16xf32, #tpu.memory_space<hbm>>) dst(%dma_wait3A_153 : memref<80x16xf32, #tpu.memory_space<vmem>>)
      } else {
      }
      %eq3A_87 = arith.constant 1 : i32
      %eq3A_88 = arith.cmpi eq, %rem3A_81, %eq3A_87 : i32
      %convert_element_type3A_89 = arith.extui %eq3A_88 : i1 to i32
      %cond3A_90 = arith.constant 0 : i32
      %cond3A_91 = arith.cmpi ne, %convert_element_type3A_89, %cond3A_90 : i32
      scf.if %cond3A_91 {
        %dma_wait3A_138 = arith.constant 1 : i32
        %dma_wait3A_139 = arith.constant 0 : i32
        %dma_wait3A_140 = arith.constant 0 : i32
        %dma_wait3A_141 = tpu.memref_slice %arg11[%dma_wait3A_138, %dma_wait3A_139, %dma_wait3A_140] : memref<2x80x16xf32, #tpu.memory_space<vmem>> -> memref<1x80x16xf32, #tpu.memory_space<vmem>>
        %dma_wait3A_142 = tpu.memref_squeeze %dma_wait3A_141 : memref<1x80x16xf32, #tpu.memory_space<vmem>> -> memref<80x16xf32, #tpu.memory_space<vmem>>
        %dma_wait3A_143 = arith.constant 0 : i32
        %dma_wait3A_144 = tpu.memref_slice %arg9[%scan3A_80, %dma_wait3A_143] : memref<125x80xi32, #tpu.memory_space<vmem>> -> memref<1x80xi32, #tpu.memory_space<vmem>>
        %dma_wait3A_145 = tpu.memref_squeeze %dma_wait3A_144 : memref<1x80xi32, #tpu.memory_space<vmem>> -> memref<80xi32, #tpu.memory_space<vmem>>
        %dma_wait3A_146 = arith.constant 0 : i32
        %dma_wait3A_147 = arith.constant 0 : i32
        %dma_wait3A_148 = tpu.memref_slice %arg2[%dma_wait3A_146, %dma_wait3A_147] : memref<10000x16xf32, #tpu.memory_space<hbm>> -> memref<10000x16xf32, #tpu.memory_space<hbm>>
        tpu.wait_indirect_dma semaphore(%arg17 : memref<!tpu.dma_semaphore, #tpu.memory_space<semaphore_mem>>) src(%dma_wait3A_148 : memref<10000x16xf32, #tpu.memory_space<hbm>>) dst(%dma_wait3A_142 : memref<80x16xf32, #tpu.memory_space<vmem>>)
        %dma_wait3A_149 = arith.constant 1 : i32
        %dma_wait3A_150 = arith.constant 0 : i32
        %dma_wait3A_151 = arith.constant 0 : i32
        %dma_wait3A_152 = tpu.memref_slice %arg12[%dma_wait3A_149, %dma_wait3A_150, %dma_wait3A_151] : memref<2x80x16xf32, #tpu.memory_space<vmem>> -> memref<1x80x16xf32, #tpu.memory_space<vmem>>
        %dma_wait3A_153 = tpu.memref_squeeze %dma_wait3A_152 : memref<1x80x16xf32, #tpu.memory_space<vmem>> -> memref<80x16xf32, #tpu.memory_space<vmem>>
        %dma_wait3A_154 = arith.constant 0 : i32
        %dma_wait3A_155 = tpu.memref_slice %arg10[%scan3A_80, %dma_wait3A_154] : memref<125x80xi32, #tpu.memory_space<vmem>> -> memref<1x80xi32, #tpu.memory_space<vmem>>
        %dma_wait3A_156 = tpu.memref_squeeze %dma_wait3A_155 : memref<1x80xi32, #tpu.memory_space<vmem>> -> memref<80xi32, #tpu.memory_space<vmem>>
        %dma_wait3A_157 = arith.constant 0 : i32
        %dma_wait3A_158 = arith.constant 0 : i32
        %dma_wait3A_159 = tpu.memref_slice %arg3[%dma_wait3A_157, %dma_wait3A_158] : memref<10000x16xf32, #tpu.memory_space<hbm>> -> memref<10000x16xf32, #tpu.memory_space<hbm>>
        tpu.wait_indirect_dma semaphore(%arg17 : memref<!tpu.dma_semaphore, #tpu.memory_space<semaphore_mem>>) src(%dma_wait3A_159 : memref<10000x16xf32, #tpu.memory_space<hbm>>) dst(%dma_wait3A_153 : memref<80x16xf32, #tpu.memory_space<vmem>>)
      } else {
      }
      %add3A_92 = arith.constant 1 : i32
      %add3A_93 = arith.addi %scan3A_80, %add3A_92 : i32
      %lt3A = arith.constant 125 : i32
      %lt3A_94 = arith.cmpi slt, %add3A_93, %lt3A : i32
      %eq3A_95 = arith.constant 0 : i32
      %eq3A_96 = arith.cmpi eq, %rem3A_81, %eq3A_95 : i32
      %and3A_97 = arith.andi %lt3A_94, %eq3A_96 : i1
      %convert_element_type3A_98 = arith.extui %and3A_97 : i1 to i32
      %cond3A_99 = arith.constant 0 : i32
      %cond3A_100 = arith.cmpi ne, %convert_element_type3A_98, %cond3A_99 : i32
      scf.if %cond3A_100 {
        %add3A_138 = arith.constant 1 : i32
        %add3A_139 = arith.addi %scan3A_80, %add3A_138 : i32
        %dma_start3A_140 = arith.constant 1 : i32
        %dma_start3A_141 = arith.constant 0 : i32
        %dma_start3A_142 = arith.constant 0 : i32
        %dma_start3A_143 = tpu.memref_slice %arg11[%dma_start3A_140, %dma_start3A_141, %dma_start3A_142] : memref<2x80x16xf32, #tpu.memory_space<vmem>> -> memref<1x80x16xf32, #tpu.memory_space<vmem>>
        %dma_start3A_144 = tpu.memref_squeeze %dma_start3A_143 : memref<1x80x16xf32, #tpu.memory_space<vmem>> -> memref<80x16xf32, #tpu.memory_space<vmem>>
        %dma_start3A_145 = arith.constant 0 : i32
        %dma_start3A_146 = tpu.memref_slice %arg9[%add3A_139, %dma_start3A_145] : memref<125x80xi32, #tpu.memory_space<vmem>> -> memref<1x80xi32, #tpu.memory_space<vmem>>
        %dma_start3A_147 = tpu.memref_squeeze %dma_start3A_146 : memref<1x80xi32, #tpu.memory_space<vmem>> -> memref<80xi32, #tpu.memory_space<vmem>>
        %dma_start3A_148 = arith.constant 0 : i32
        %dma_start3A_149 = arith.constant 0 : i32
        %dma_start3A_150 = tpu.memref_slice %arg2[%dma_start3A_148, %dma_start3A_149] : memref<10000x16xf32, #tpu.memory_space<hbm>> -> memref<10000x16xf32, #tpu.memory_space<hbm>>
        tpu.enqueue_indirect_dma source(%dma_start3A_150 : memref<10000x16xf32, #tpu.memory_space<hbm>>) target(%dma_start3A_144 : memref<80x16xf32, #tpu.memory_space<vmem>>) offsets(%dma_start3A_147 : memref<80xi32, #tpu.memory_space<vmem>>) semaphore(%arg17 : memref<!tpu.dma_semaphore, #tpu.memory_space<semaphore_mem>>)
        %dma_start3A_151 = arith.constant 1 : i32
        %dma_start3A_152 = arith.constant 0 : i32
        %dma_start3A_153 = arith.constant 0 : i32
        %dma_start3A_154 = tpu.memref_slice %arg12[%dma_start3A_151, %dma_start3A_152, %dma_start3A_153] : memref<2x80x16xf32, #tpu.memory_space<vmem>> -> memref<1x80x16xf32, #tpu.memory_space<vmem>>
        %dma_start3A_155 = tpu.memref_squeeze %dma_start3A_154 : memref<1x80x16xf32, #tpu.memory_space<vmem>> -> memref<80x16xf32, #tpu.memory_space<vmem>>
        %dma_start3A_156 = arith.constant 0 : i32
        %dma_start3A_157 = tpu.memref_slice %arg10[%add3A_139, %dma_start3A_156] : memref<125x80xi32, #tpu.memory_space<vmem>> -> memref<1x80xi32, #tpu.memory_space<vmem>>
        %dma_start3A_158 = tpu.memref_squeeze %dma_start3A_157 : memref<1x80xi32, #tpu.memory_space<vmem>> -> memref<80xi32, #tpu.memory_space<vmem>>
        %dma_start3A_159 = arith.constant 0 : i32
        %dma_start3A_160 = arith.constant 0 : i32
        %dma_start3A_161 = tpu.memref_slice %arg3[%dma_start3A_159, %dma_start3A_160] : memref<10000x16xf32, #tpu.memory_space<hbm>> -> memref<10000x16xf32, #tpu.memory_space<hbm>>
        tpu.enqueue_indirect_dma source(%dma_start3A_161 : memref<10000x16xf32, #tpu.memory_space<hbm>>) target(%dma_start3A_155 : memref<80x16xf32, #tpu.memory_space<vmem>>) offsets(%dma_start3A_158 : memref<80xi32, #tpu.memory_space<vmem>>) semaphore(%arg17 : memref<!tpu.dma_semaphore, #tpu.memory_space<semaphore_mem>>)
      } else {
      }
      %add3A_101 = arith.constant 1 : i32
      %add3A_102 = arith.addi %scan3A_80, %add3A_101 : i32
      %lt3A_103 = arith.constant 125 : i32
      %lt3A_104 = arith.cmpi slt, %add3A_102, %lt3A_103 : i32
      %eq3A_105 = arith.constant 1 : i32
      %eq3A_106 = arith.cmpi eq, %rem3A_81, %eq3A_105 : i32
      %and3A_107 = arith.andi %lt3A_104, %eq3A_106 : i1
      %convert_element_type3A_108 = arith.extui %and3A_107 : i1 to i32
      %cond3A_109 = arith.constant 0 : i32
      %cond3A_110 = arith.cmpi ne, %convert_element_type3A_108, %cond3A_109 : i32
      scf.if %cond3A_110 {
        %add3A_138 = arith.constant 1 : i32
        %add3A_139 = arith.addi %scan3A_80, %add3A_138 : i32
        %dma_start3A_140 = arith.constant 0 : i32
        %dma_start3A_141 = arith.constant 0 : i32
        %dma_start3A_142 = arith.constant 0 : i32
        %dma_start3A_143 = tpu.memref_slice %arg11[%dma_start3A_140, %dma_start3A_141, %dma_start3A_142] : memref<2x80x16xf32, #tpu.memory_space<vmem>> -> memref<1x80x16xf32, #tpu.memory_space<vmem>>
        %dma_start3A_144 = tpu.memref_squeeze %dma_start3A_143 : memref<1x80x16xf32, #tpu.memory_space<vmem>> -> memref<80x16xf32, #tpu.memory_space<vmem>>
        %dma_start3A_145 = arith.constant 0 : i32
        %dma_start3A_146 = tpu.memref_slice %arg9[%add3A_139, %dma_start3A_145] : memref<125x80xi32, #tpu.memory_space<vmem>> -> memref<1x80xi32, #tpu.memory_space<vmem>>
        %dma_start3A_147 = tpu.memref_squeeze %dma_start3A_146 : memref<1x80xi32, #tpu.memory_space<vmem>> -> memref<80xi32, #tpu.memory_space<vmem>>
        %dma_start3A_148 = arith.constant 0 : i32
        %dma_start3A_149 = arith.constant 0 : i32
        %dma_start3A_150 = tpu.memref_slice %arg2[%dma_start3A_148, %dma_start3A_149] : memref<10000x16xf32, #tpu.memory_space<hbm>> -> memref<10000x16xf32, #tpu.memory_space<hbm>>
        tpu.enqueue_indirect_dma source(%dma_start3A_150 : memref<10000x16xf32, #tpu.memory_space<hbm>>) target(%dma_start3A_144 : memref<80x16xf32, #tpu.memory_space<vmem>>) offsets(%dma_start3A_147 : memref<80xi32, #tpu.memory_space<vmem>>) semaphore(%arg16 : memref<!tpu.dma_semaphore, #tpu.memory_space<semaphore_mem>>)
        %dma_start3A_151 = arith.constant 0 : i32
        %dma_start3A_152 = arith.constant 0 : i32
        %dma_start3A_153 = arith.constant 0 : i32
        %dma_start3A_154 = tpu.memref_slice %arg12[%dma_start3A_151, %dma_start3A_152, %dma_start3A_153] : memref<2x80x16xf32, #tpu.memory_space<vmem>> -> memref<1x80x16xf32, #tpu.memory_space<vmem>>
        %dma_start3A_155 = tpu.memref_squeeze %dma_start3A_154 : memref<1x80x16xf32, #tpu.memory_space<vmem>> -> memref<80x16xf32, #tpu.memory_space<vmem>>
        %dma_start3A_156 = arith.constant 0 : i32
        %dma_start3A_157 = tpu.memref_slice %arg10[%add3A_139, %dma_start3A_156] : memref<125x80xi32, #tpu.memory_space<vmem>> -> memref<1x80xi32, #tpu.memory_space<vmem>>
        %dma_start3A_158 = tpu.memref_squeeze %dma_start3A_157 : memref<1x80xi32, #tpu.memory_space<vmem>> -> memref<80xi32, #tpu.memory_space<vmem>>
        %dma_start3A_159 = arith.constant 0 : i32
        %dma_start3A_160 = arith.constant 0 : i32
        %dma_start3A_161 = tpu.memref_slice %arg3[%dma_start3A_159, %dma_start3A_160] : memref<10000x16xf32, #tpu.memory_space<hbm>> -> memref<10000x16xf32, #tpu.memory_space<hbm>>
        tpu.enqueue_indirect_dma source(%dma_start3A_161 : memref<10000x16xf32, #tpu.memory_space<hbm>>) target(%dma_start3A_155 : memref<80x16xf32, #tpu.memory_space<vmem>>) offsets(%dma_start3A_158 : memref<80xi32, #tpu.memory_space<vmem>>) semaphore(%arg16 : memref<!tpu.dma_semaphore, #tpu.memory_space<semaphore_mem>>)
      } else {
      }
      %ge3A = arith.constant 2 : i32
      %ge3A_111 = arith.cmpi sge, %scan3A_80, %ge3A : i32
      %eq3A_112 = arith.constant 0 : i32
      %eq3A_113 = arith.cmpi eq, %rem3A_81, %eq3A_112 : i32
      %and3A_114 = arith.andi %ge3A_111, %eq3A_113 : i1
      %convert_element_type3A_115 = arith.extui %and3A_114 : i1 to i32
      %cond3A_116 = arith.constant 0 : i32
      %cond3A_117 = arith.cmpi ne, %convert_element_type3A_115, %cond3A_116 : i32
      scf.if %cond3A_117 {
        %dma_wait3A_138 = arith.constant 0 : i32
        %dma_wait3A_139 = arith.constant 0 : i32
        %dma_wait3A_140 = arith.constant 0 : i32
        %dma_wait3A_141 = tpu.memref_slice %arg13[%dma_wait3A_138, %dma_wait3A_139, %dma_wait3A_140] : memref<2x80x4xf32, #tpu.memory_space<vmem>> -> memref<1x80x4xf32, #tpu.memory_space<vmem>>
        %dma_wait3A_142 = tpu.memref_squeeze %dma_wait3A_141 : memref<1x80x4xf32, #tpu.memory_space<vmem>> -> memref<80x4xf32, #tpu.memory_space<vmem>>
        %dma_wait3A_143 = arith.constant 0 : i32
        %dma_wait3A_144 = tpu.memref_slice %arg7[%add3A_84, %dma_wait3A_143] : memref<320000x4xf32, #tpu.memory_space<hbm>> -> memref<80x4xf32, #tpu.memory_space<hbm>>
        %dma_wait3A_145 = arith.constant 0 : i32
        %dma_wait3A_146 = tpu.memref_slice %arg7[%add3A_84, %dma_wait3A_145] : memref<320000x4xf32, #tpu.memory_space<hbm>> -> memref<80x4xf32, #tpu.memory_space<hbm>>
        %dma_wait3A_147 = arith.constant 0 : i32
        %dma_wait3A_148 = arith.constant 0 : i32
        %dma_wait3A_149 = tpu.memref_slice %arg13[%dma_wait3A_138, %dma_wait3A_147, %dma_wait3A_148] : memref<2x80x4xf32, #tpu.memory_space<vmem>> -> memref<1x80x4xf32, #tpu.memory_space<vmem>>
        %dma_wait3A_150 = tpu.memref_squeeze %dma_wait3A_149 : memref<1x80x4xf32, #tpu.memory_space<vmem>> -> memref<80x4xf32, #tpu.memory_space<vmem>>
        tpu.wait_dma2 semaphore(%arg18 : memref<!tpu.dma_semaphore, #tpu.memory_space<semaphore_mem>>) src(%dma_wait3A_150 : memref<80x4xf32, #tpu.memory_space<vmem>>) dst(%dma_wait3A_146 : memref<80x4xf32, #tpu.memory_space<hbm>>)
      } else {
      }
      %ge3A_118 = arith.constant 2 : i32
      %ge3A_119 = arith.cmpi sge, %scan3A_80, %ge3A_118 : i32
      %eq3A_120 = arith.constant 1 : i32
      %eq3A_121 = arith.cmpi eq, %rem3A_81, %eq3A_120 : i32
      %and3A_122 = arith.andi %ge3A_119, %eq3A_121 : i1
      %convert_element_type3A_123 = arith.extui %and3A_122 : i1 to i32
      %cond3A_124 = arith.constant 0 : i32
      %cond3A_125 = arith.cmpi ne, %convert_element_type3A_123, %cond3A_124 : i32
      scf.if %cond3A_125 {
        %dma_wait3A_138 = arith.constant 1 : i32
        %dma_wait3A_139 = arith.constant 0 : i32
        %dma_wait3A_140 = arith.constant 0 : i32
        %dma_wait3A_141 = tpu.memref_slice %arg13[%dma_wait3A_138, %dma_wait3A_139, %dma_wait3A_140] : memref<2x80x4xf32, #tpu.memory_space<vmem>> -> memref<1x80x4xf32, #tpu.memory_space<vmem>>
        %dma_wait3A_142 = tpu.memref_squeeze %dma_wait3A_141 : memref<1x80x4xf32, #tpu.memory_space<vmem>> -> memref<80x4xf32, #tpu.memory_space<vmem>>
        %dma_wait3A_143 = arith.constant 0 : i32
        %dma_wait3A_144 = tpu.memref_slice %arg7[%add3A_84, %dma_wait3A_143] : memref<320000x4xf32, #tpu.memory_space<hbm>> -> memref<80x4xf32, #tpu.memory_space<hbm>>
        %dma_wait3A_145 = arith.constant 0 : i32
        %dma_wait3A_146 = tpu.memref_slice %arg7[%add3A_84, %dma_wait3A_145] : memref<320000x4xf32, #tpu.memory_space<hbm>> -> memref<80x4xf32, #tpu.memory_space<hbm>>
        %dma_wait3A_147 = arith.constant 0 : i32
        %dma_wait3A_148 = arith.constant 0 : i32
        %dma_wait3A_149 = tpu.memref_slice %arg13[%dma_wait3A_138, %dma_wait3A_147, %dma_wait3A_148] : memref<2x80x4xf32, #tpu.memory_space<vmem>> -> memref<1x80x4xf32, #tpu.memory_space<vmem>>
        %dma_wait3A_150 = tpu.memref_squeeze %dma_wait3A_149 : memref<1x80x4xf32, #tpu.memory_space<vmem>> -> memref<80x4xf32, #tpu.memory_space<vmem>>
        tpu.wait_dma2 semaphore(%arg19 : memref<!tpu.dma_semaphore, #tpu.memory_space<semaphore_mem>>) src(%dma_wait3A_150 : memref<80x4xf32, #tpu.memory_space<vmem>>) dst(%dma_wait3A_146 : memref<80x4xf32, #tpu.memory_space<hbm>>)
      } else {
      }
      %parallel_loop3A = arith.constant 0 : i32
      %parallel_loop3A_126 = arith.constant 20 : i32
      %parallel_loop3A_127 = arith.constant 1 : i32
      scf.for %parallel_loop3A_138 = %parallel_loop3A to %parallel_loop3A_126 step %parallel_loop3A_127  : i32 {
        %parallel_loop3A_139 = arith.constant 4 : i32
        %parallel_loop3A_140 = arith.muli %parallel_loop3A_138, %parallel_loop3A_139 : i32
        %parallel_loop3A_141 = vector.broadcast %parallel_loop3A_140 : i32 to vector<16xi32>
        %parallel_loop3A_142 = arith.addi %parallel_loop3A_141, %shift_right_logical3A_18 : vector<16xi32>
        %parallel_loop3A_143 = arith.constant 0 : i32
        %parallel_loop3A_144 = arith.constant 0 : i32
        %parallel_loop3A_145 = tpu.memref_slice %arg11[%rem3A_81, %parallel_loop3A_143, %parallel_loop3A_144] : memref<2x80x16xf32, #tpu.memory_space<vmem>> -> memref<1x80x16xf32, #tpu.memory_space<vmem>>
        %parallel_loop3A_146 = tpu.memref_squeeze %parallel_loop3A_145 : memref<1x80x16xf32, #tpu.memory_space<vmem>> -> memref<80x16xf32, #tpu.memory_space<vmem>>
        %parallel_loop3A_147 = tpu.vector_load_idx %parallel_loop3A_146[%parallel_loop3A_142, %and3A_20] : memref<80x16xf32, #tpu.memory_space<vmem>>[vector<16xi32>, vector<16xi32>], vector<16xf32>,
        %parallel_loop3A_148 = arith.constant 0 : i32
        %parallel_loop3A_149 = arith.constant 0 : i32
        %parallel_loop3A_150 = tpu.memref_slice %arg12[%rem3A_81, %parallel_loop3A_148, %parallel_loop3A_149] : memref<2x80x16xf32, #tpu.memory_space<vmem>> -> memref<1x80x16xf32, #tpu.memory_space<vmem>>
        %parallel_loop3A_151 = tpu.memref_squeeze %parallel_loop3A_150 : memref<1x80x16xf32, #tpu.memory_space<vmem>> -> memref<80x16xf32, #tpu.memory_space<vmem>>
        %parallel_loop3A_152 = tpu.vector_load_idx %parallel_loop3A_151[%parallel_loop3A_142, %and3A_20] : memref<80x16xf32, #tpu.memory_space<vmem>>[vector<16xi32>, vector<16xi32>], vector<16xf32>,
        %parallel_loop3A_153 = arith.addf %parallel_loop3A_147, %parallel_loop3A_152 : vector<16xf32>
        %parallel_loop3A_154 = arith.constant 0.000000e+00 : f32
        %parallel_loop3A_155 = vector.broadcast %parallel_loop3A_154 : f32 to vector<16xf32>
        %parallel_loop3A_156 = arith.cmpf oge, %parallel_loop3A_153, %parallel_loop3A_155 : vector<16xf32>
        %parallel_loop3A_157 = arith.constant 2.000000e-01 : f32
        %parallel_loop3A_158 = vector.broadcast %parallel_loop3A_157 : f32 to vector<16xf32>
        %parallel_loop3A_159 = arith.mulf %parallel_loop3A_158, %parallel_loop3A_153 : vector<16xf32>
        %parallel_loop3A_160 = arith.select %parallel_loop3A_156, %parallel_loop3A_153, %parallel_loop3A_159 : vector<16xi1>, vector<16xf32>
        %parallel_loop3A_161 = arith.constant 0 : i32
        %parallel_loop3A_162 = arith.constant 0 : i32
        %parallel_loop3A_163 = tpu.memref_slice %arg13[%rem3A_81, %parallel_loop3A_161, %parallel_loop3A_162] : memref<2x80x4xf32, #tpu.memory_space<vmem>> -> memref<1x80x4xf32, #tpu.memory_space<vmem>>
        %parallel_loop3A_164 = tpu.memref_squeeze %parallel_loop3A_163 : memref<1x80x4xf32, #tpu.memory_space<vmem>> -> memref<80x4xf32, #tpu.memory_space<vmem>>
        tpu.vector_store_idx %parallel_loop3A_164[%parallel_loop3A_142, %and3A_20], %parallel_loop3A_160 : memref<80x4xf32, #tpu.memory_space<vmem>>[vector<16xi32>, vector<16xi32>], vector<16xf32>,
        %parallel_loop3A_165 = arith.constant 0 : i32
        %parallel_loop3A_166 = arith.constant 0 : i32
        %parallel_loop3A_167 = tpu.memref_slice %arg14[%rem3A_81, %parallel_loop3A_165, %parallel_loop3A_166] : memref<2x80x16xf32, #tpu.memory_space<vmem>> -> memref<1x80x16xf32, #tpu.memory_space<vmem>>
        %parallel_loop3A_168 = tpu.memref_squeeze %parallel_loop3A_167 : memref<1x80x16xf32, #tpu.memory_space<vmem>> -> memref<80x16xf32, #tpu.memory_space<vmem>>
        tpu.vector_store_idx %parallel_loop3A_168[%parallel_loop3A_142, %and3A_20], %parallel_loop3A_160 : memref<80x16xf32, #tpu.memory_space<vmem>>[vector<16xi32>, vector<16xi32>], vector<16xf32>,
      } {sc.loop_unroll_factor = 4 : i64, sc.parallel_access}
      %eq3A_128 = arith.constant 0 : i32
      %eq3A_129 = arith.cmpi eq, %rem3A_81, %eq3A_128 : i32
      %convert_element_type3A_130 = arith.extui %eq3A_129 : i1 to i32
      %cond3A_131 = arith.constant 0 : i32
      %cond3A_132 = arith.cmpi ne, %convert_element_type3A_130, %cond3A_131 : i32
      scf.if %cond3A_132 {
        %dma_start3A_138 = arith.constant 0 : i32
        %dma_start3A_139 = arith.constant 0 : i32
        %dma_start3A_140 = arith.constant 0 : i32
        %dma_start3A_141 = tpu.memref_slice %arg13[%dma_start3A_138, %dma_start3A_139, %dma_start3A_140] : memref<2x80x4xf32, #tpu.memory_space<vmem>> -> memref<1x80x4xf32, #tpu.memory_space<vmem>>
        %dma_start3A_142 = tpu.memref_squeeze %dma_start3A_141 : memref<1x80x4xf32, #tpu.memory_space<vmem>> -> memref<80x4xf32, #tpu.memory_space<vmem>>
        %dma_start3A_143 = arith.constant 0 : i32
        %dma_start3A_144 = tpu.memref_slice %arg7[%add3A_84, %dma_start3A_143] : memref<320000x4xf32, #tpu.memory_space<hbm>> -> memref<80x4xf32, #tpu.memory_space<hbm>>
        %dma_start3A_145 = arith.constant 0 : i32
        %dma_start3A_146 = tpu.memref_slice %arg7[%add3A_84, %dma_start3A_145] : memref<320000x4xf32, #tpu.memory_space<hbm>> -> memref<80x4xf32, #tpu.memory_space<hbm>>
        %dma_start3A_147 = arith.constant 0 : i32
        %dma_start3A_148 = arith.constant 0 : i32
        %dma_start3A_149 = tpu.memref_slice %arg13[%dma_start3A_138, %dma_start3A_147, %dma_start3A_148] : memref<2x80x4xf32, #tpu.memory_space<vmem>> -> memref<1x80x4xf32, #tpu.memory_space<vmem>>
        %dma_start3A_150 = tpu.memref_squeeze %dma_start3A_149 : memref<1x80x4xf32, #tpu.memory_space<vmem>> -> memref<80x4xf32, #tpu.memory_space<vmem>>
        tpu.enqueue_dma source(%dma_start3A_150 : memref<80x4xf32, #tpu.memory_space<vmem>>) target(%dma_start3A_146 : memref<80x4xf32, #tpu.memory_space<hbm>>) target_semaphore(%arg18 : memref<!tpu.dma_semaphore, #tpu.memory_space<semaphore_mem>>)
      } else {
      }
      %eq3A_133 = arith.constant 1 : i32
      %eq3A_134 = arith.cmpi eq, %rem3A_81, %eq3A_133 : i32
      %convert_element_type3A_135 = arith.extui %eq3A_134 : i1 to i32
      %cond3A_136 = arith.constant 0 : i32
      %cond3A_137 = arith.cmpi ne, %convert_element_type3A_135, %cond3A_136 : i32
      scf.if %cond3A_137 {
        %dma_start3A_138 = arith.constant 1 : i32
        %dma_start3A_139 = arith.constant 0 : i32
        %dma_start3A_140 = arith.constant 0 : i32
        %dma_start3A_141 = tpu.memref_slice %arg13[%dma_start3A_138, %dma_start3A_139, %dma_start3A_140] : memref<2x80x4xf32, #tpu.memory_space<vmem>> -> memref<1x80x4xf32, #tpu.memory_space<vmem>>
        %dma_start3A_142 = tpu.memref_squeeze %dma_start3A_141 : memref<1x80x4xf32, #tpu.memory_space<vmem>> -> memref<80x4xf32, #tpu.memory_space<vmem>>
        %dma_start3A_143 = arith.constant 0 : i32
        %dma_start3A_144 = tpu.memref_slice %arg7[%add3A_84, %dma_start3A_143] : memref<320000x4xf32, #tpu.memory_space<hbm>> -> memref<80x4xf32, #tpu.memory_space<hbm>>
        %dma_start3A_145 = arith.constant 0 : i32
        %dma_start3A_146 = tpu.memref_slice %arg7[%add3A_84, %dma_start3A_145] : memref<320000x4xf32, #tpu.memory_space<hbm>> -> memref<80x4xf32, #tpu.memory_space<hbm>>
        %dma_start3A_147 = arith.constant 0 : i32
        %dma_start3A_148 = arith.constant 0 : i32
        %dma_start3A_149 = tpu.memref_slice %arg13[%dma_start3A_138, %dma_start3A_147, %dma_start3A_148] : memref<2x80x4xf32, #tpu.memory_space<vmem>> -> memref<1x80x4xf32, #tpu.memory_space<vmem>>
        %dma_start3A_150 = tpu.memref_squeeze %dma_start3A_149 : memref<1x80x4xf32, #tpu.memory_space<vmem>> -> memref<80x4xf32, #tpu.memory_space<vmem>>
        tpu.enqueue_dma source(%dma_start3A_150 : memref<80x4xf32, #tpu.memory_space<vmem>>) target(%dma_start3A_146 : memref<80x4xf32, #tpu.memory_space<hbm>>) target_semaphore(%arg19 : memref<!tpu.dma_semaphore, #tpu.memory_space<semaphore_mem>>)
      } else {
      }
      "tpu.region"() ({
        %run_scoped3A = tpu.sem_alloc : memref<!tpu.dma_semaphore, #tpu.memory_space<semaphore_mem>>
        %dma_start3A_138 = arith.constant 0 : i32
        %dma_start3A_139 = arith.constant 0 : i32
        %dma_start3A_140 = tpu.memref_slice %arg14[%rem3A_81, %dma_start3A_138, %dma_start3A_139] : memref<2x80x16xf32, #tpu.memory_space<vmem>> -> memref<1x80x16xf32, #tpu.memory_space<vmem>>
        %dma_start3A_141 = tpu.memref_squeeze %dma_start3A_140 : memref<1x80x16xf32, #tpu.memory_space<vmem>> -> memref<80x16xf32, #tpu.memory_space<vmem>>
        %dma_start3A_142 = arith.constant 0 : i32
        %dma_start3A_143 = tpu.memref_slice %arg9[%scan3A_80, %dma_start3A_142] : memref<125x80xi32, #tpu.memory_space<vmem>> -> memref<1x80xi32, #tpu.memory_space<vmem>>
        %dma_start3A_144 = tpu.memref_squeeze %dma_start3A_143 : memref<1x80xi32, #tpu.memory_space<vmem>> -> memref<80xi32, #tpu.memory_space<vmem>>
        %dma_start3A_145 = arith.constant 0 : i32
        %dma_start3A_146 = arith.constant 0 : i32
        %dma_start3A_147 = tpu.memref_slice %arg15[%dma_start3A_145, %dma_start3A_146] : memref<10240x16xf32, #tpu.memory_space<vmem_shared>> -> memref<10240x16xf32, #tpu.memory_space<vmem_shared>>
        tpu.enqueue_indirect_dma source(%dma_start3A_141 : memref<80x16xf32, #tpu.memory_space<vmem>>) target(%dma_start3A_147 : memref<10240x16xf32, #tpu.memory_space<vmem_shared>>) offsets(%dma_start3A_144 : memref<80xi32, #tpu.memory_space<vmem>>) semaphore(%run_scoped3A : memref<!tpu.dma_semaphore, #tpu.memory_space<semaphore_mem>>) {add = true}
        %dma_wait3A_148 = arith.constant 0 : i32
        %dma_wait3A_149 = arith.constant 0 : i32
        %dma_wait3A_150 = tpu.memref_slice %arg14[%rem3A_81, %dma_wait3A_148, %dma_wait3A_149] : memref<2x80x16xf32, #tpu.memory_space<vmem>> -> memref<1x80x16xf32, #tpu.memory_space<vmem>>
        %dma_wait3A_151 = tpu.memref_squeeze %dma_wait3A_150 : memref<1x80x16xf32, #tpu.memory_space<vmem>> -> memref<80x16xf32, #tpu.memory_space<vmem>>
        %dma_wait3A_152 = arith.constant 0 : i32
        %dma_wait3A_153 = tpu.memref_slice %arg9[%scan3A_80, %dma_wait3A_152] : memref<125x80xi32, #tpu.memory_space<vmem>> -> memref<1x80xi32, #tpu.memory_space<vmem>>
        %dma_wait3A_154 = tpu.memref_squeeze %dma_wait3A_153 : memref<1x80xi32, #tpu.memory_space<vmem>> -> memref<80xi32, #tpu.memory_space<vmem>>
        %dma_wait3A_155 = arith.constant 0 : i32
        %dma_wait3A_156 = arith.constant 0 : i32
        %dma_wait3A_157 = tpu.memref_slice %arg15[%dma_wait3A_155, %dma_wait3A_156] : memref<10240x16xf32, #tpu.memory_space<vmem_shared>> -> memref<10240x16xf32, #tpu.memory_space<vmem_shared>>
        tpu.wait_indirect_dma semaphore(%run_scoped3A : memref<!tpu.dma_semaphore, #tpu.memory_space<semaphore_mem>>) src(%dma_wait3A_151 : memref<80x16xf32, #tpu.memory_space<vmem>>) dst(%dma_wait3A_157 : memref<10240x16xf32, #tpu.memory_space<vmem_shared>>)
        tpu.yield
      }) : () -> ()
    }
    %scan3A_49 = arith.constant 125 : i32
    %dma_wait3A = arith.constant 0 : i32
    %dma_wait3A_50 = arith.constant 0 : i32
    %dma_wait3A_51 = arith.constant 0 : i32
    %dma_wait3A_52 = tpu.memref_slice %arg13[%dma_wait3A, %dma_wait3A_50, %dma_wait3A_51] : memref<2x80x4xf32, #tpu.memory_space<vmem>> -> memref<1x80x4xf32, #tpu.memory_space<vmem>>
    %dma_wait3A_53 = tpu.memref_squeeze %dma_wait3A_52 : memref<1x80x4xf32, #tpu.memory_space<vmem>> -> memref<80x4xf32, #tpu.memory_space<vmem>>
    %dma_wait3A_54 = arith.constant 0 : i32
    %dma_wait3A_55 = tpu.memref_slice %arg7[%mul3A_2, %dma_wait3A_54] : memref<320000x4xf32, #tpu.memory_space<hbm>> -> memref<80x4xf32, #tpu.memory_space<hbm>>
    %dma_wait3A_56 = arith.constant 0 : i32
    %dma_wait3A_57 = tpu.memref_slice %arg7[%mul3A_2, %dma_wait3A_56] : memref<320000x4xf32, #tpu.memory_space<hbm>> -> memref<80x4xf32, #tpu.memory_space<hbm>>
    %dma_wait3A_58 = arith.constant 0 : i32
    %dma_wait3A_59 = arith.constant 0 : i32
    %dma_wait3A_60 = tpu.memref_slice %arg13[%dma_wait3A, %dma_wait3A_58, %dma_wait3A_59] : memref<2x80x4xf32, #tpu.memory_space<vmem>> -> memref<1x80x4xf32, #tpu.memory_space<vmem>>
    %dma_wait3A_61 = tpu.memref_squeeze %dma_wait3A_60 : memref<1x80x4xf32, #tpu.memory_space<vmem>> -> memref<80x4xf32, #tpu.memory_space<vmem>>
    tpu.wait_dma2 semaphore(%arg18 : memref<!tpu.dma_semaphore, #tpu.memory_space<semaphore_mem>>) src(%dma_wait3A_61 : memref<80x4xf32, #tpu.memory_space<vmem>>) dst(%dma_wait3A_57 : memref<80x4xf32, #tpu.memory_space<hbm>>)
    %dma_wait3A_62 = arith.constant 1 : i32
    %dma_wait3A_63 = arith.constant 0 : i32
    %dma_wait3A_64 = arith.constant 0 : i32
    %dma_wait3A_65 = tpu.memref_slice %arg13[%dma_wait3A_62, %dma_wait3A_63, %dma_wait3A_64] : memref<2x80x4xf32, #tpu.memory_space<vmem>> -> memref<1x80x4xf32, #tpu.memory_space<vmem>>
    %dma_wait3A_66 = tpu.memref_squeeze %dma_wait3A_65 : memref<1x80x4xf32, #tpu.memory_space<vmem>> -> memref<80x4xf32, #tpu.memory_space<vmem>>
    %dma_wait3A_67 = arith.constant 0 : i32
    %dma_wait3A_68 = tpu.memref_slice %arg7[%mul3A_2, %dma_wait3A_67] : memref<320000x4xf32, #tpu.memory_space<hbm>> -> memref<80x4xf32, #tpu.memory_space<hbm>>
    %dma_wait3A_69 = arith.constant 0 : i32
    %dma_wait3A_70 = tpu.memref_slice %arg7[%mul3A_2, %dma_wait3A_69] : memref<320000x4xf32, #tpu.memory_space<hbm>> -> memref<80x4xf32, #tpu.memory_space<hbm>>
    %dma_wait3A_71 = arith.constant 0 : i32
    %dma_wait3A_72 = arith.constant 0 : i32
    %dma_wait3A_73 = tpu.memref_slice %arg13[%dma_wait3A_62, %dma_wait3A_71, %dma_wait3A_72] : memref<2x80x4xf32, #tpu.memory_space<vmem>> -> memref<1x80x4xf32, #tpu.memory_space<vmem>>
    %dma_wait3A_74 = tpu.memref_squeeze %dma_wait3A_73 : memref<1x80x4xf32, #tpu.memory_space<vmem>> -> memref<80x4xf32, #tpu.memory_space<vmem>>
    tpu.wait_dma2 semaphore(%arg19 : memref<!tpu.dma_semaphore, #tpu.memory_space<semaphore_mem>>) src(%dma_wait3A_74 : memref<80x4xf32, #tpu.memory_space<vmem>>) dst(%dma_wait3A_70 : memref<80x4xf32, #tpu.memory_space<hbm>>)
    %barrier3A_75 = arith.constant 0 : index
    tpu.barrier barrier_id(%barrier3A_75)
    %mul3A_76 = arith.constant 640 : i32
    %mul3A_77 = arith.muli %arg1, %mul3A_76 : i32
    %mul3A_78 = arith.constant 640 : i32
    %mul3A_79 = arith.muli %arg1, %mul3A_78 : i32
    "tpu.region"() ({
      %run_scoped3A = tpu.sem_alloc : memref<!tpu.dma_semaphore, #tpu.memory_space<semaphore_mem>>
      %dma_start3A_80 = arith.constant 0 : i32
      %dma_start3A_81 = tpu.memref_slice %arg8[%arg0, %mul3A_79, %dma_start3A_80] : memref<2x10240x16xf32, #tpu.memory_space<hbm>> -> memref<1x640x16xf32, #tpu.memory_space<hbm>>
      %dma_start3A_82 = tpu.memref_squeeze %dma_start3A_81 : memref<1x640x16xf32, #tpu.memory_space<hbm>> -> memref<640x16xf32, #tpu.memory_space<hbm>>
      %dma_start3A_83 = arith.constant 0 : i32
      %dma_start3A_84 = tpu.memref_slice %arg15[%mul3A_77, %dma_start3A_83] : memref<10240x16xf32, #tpu.memory_space<vmem_shared>> -> memref<640x16xf32, #tpu.memory_space<vmem_shared>>
      tpu.enqueue_dma source(%dma_start3A_84 : memref<640x16xf32, #tpu.memory_space<vmem_shared>>) target(%dma_start3A_82 : memref<640x16xf32, #tpu.memory_space<hbm>>) target_semaphore(%run_scoped3A : memref<!tpu.dma_semaphore, #tpu.memory_space<semaphore_mem>>)
      %dma_wait3A_85 = arith.constant 0 : i32
      %dma_wait3A_86 = tpu.memref_slice %arg8[%arg0, %mul3A_79, %dma_wait3A_85] : memref<2x10240x16xf32, #tpu.memory_space<hbm>> -> memref<1x640x16xf32, #tpu.memory_space<hbm>>
      %dma_wait3A_87 = tpu.memref_squeeze %dma_wait3A_86 : memref<1x640x16xf32, #tpu.memory_space<hbm>> -> memref<640x16xf32, #tpu.memory_space<hbm>>
      %dma_wait3A_88 = arith.constant 0 : i32
      %dma_wait3A_89 = tpu.memref_slice %arg15[%mul3A_77, %dma_wait3A_88] : memref<10240x16xf32, #tpu.memory_space<vmem_shared>> -> memref<640x16xf32, #tpu.memory_space<vmem_shared>>
      tpu.wait_dma2 semaphore(%run_scoped3A : memref<!tpu.dma_semaphore, #tpu.memory_space<semaphore_mem>>) src(%dma_wait3A_89 : memref<640x16xf32, #tpu.memory_space<vmem_shared>>) dst(%dma_wait3A_87 : memref<640x16xf32, #tpu.memory_space<hbm>>)
      tpu.yield
    }) : () -> ()
    return
  }
}

module attributes {stable_mosaic.version = 14 : i64} {
  func.func @_dense_body(%arg0: i32, %arg1: memref<400x128xf32, #tpu.memory_space<vmem>>, %arg2: memref<128x128xf32, #tpu.memory_space<vmem>>, %arg3: memref<1x128xf32, #tpu.memory_space<vmem>>, %arg4: memref<128x16xf32, #tpu.memory_space<vmem>>, %arg5: memref<128x16xf32, #tpu.memory_space<vmem>>, %arg6: memref<1x16xf32, #tpu.memory_space<vmem>>, %arg7: memref<400x128xf32, #tpu.memory_space<vmem>>, %arg8: memref<400x16xf32, #tpu.memory_space<vmem>>, %arg9: memref<400x16xf32, #tpu.memory_space<vmem>>) attributes {dimension_semantics = [#tpu.dimension_semantics<arbitrary>], iteration_bounds = array<i64: 25>, scalar_prefetch = 0 : i64, scratch_operands = 0 : i64, tpu.core_type = #tpu.core_type<tc>, window_params = [{transform_indices = @transform_0, window_bounds = array<i64: 400, 128>}, {pipeline_mode = #tpu.pipeline_mode<synchronous>, transform_indices = @transform_1, window_bounds = array<i64: 128, 128>}, {pipeline_mode = #tpu.pipeline_mode<synchronous>, transform_indices = @transform_2, window_bounds = array<i64: 1, 128>}, {pipeline_mode = #tpu.pipeline_mode<synchronous>, transform_indices = @transform_3, window_bounds = array<i64: 128, 16>}, {pipeline_mode = #tpu.pipeline_mode<synchronous>, transform_indices = @transform_4, window_bounds = array<i64: 128, 16>}, {pipeline_mode = #tpu.pipeline_mode<synchronous>, transform_indices = @transform_5, window_bounds = array<i64: 1, 16>}, {transform_indices = @transform_6, window_bounds = array<i64: 400, 128>}, {transform_indices = @transform_7, window_bounds = array<i64: 400, 16>}, {transform_indices = @transform_8, window_bounds = array<i64: 400, 16>}]} {
    %get3A = arith.constant 0 : index
    %get3A_0 = arith.constant 0 : index
    %get3A_1 = vector.load %arg1[%get3A, %get3A_0] : memref<400x128xf32, #tpu.memory_space<vmem>>, vector<400x128xf32>
    %get3A_2 = arith.constant 0 : index
    %get3A_3 = arith.constant 0 : index
    %get3A_4 = vector.load %arg2[%get3A_2, %get3A_3] : memref<128x128xf32, #tpu.memory_space<vmem>>, vector<128x128xf32>
    %dot_general3A = arith.constant dense<0.000000e+00> : vector<400x128xf32>
    %dot_general3A_5 = tpu.matmul %get3A_1, %get3A_4, %dot_general3A {dimension_numbers = #tpu.dot_dimension_numbers<[1], [0], [0], [1], [0, 0, 1, 1], [], []>, transpose_lhs_hint = false} : vector<400x128xf32>, vector<128x128xf32>, vector<400x128xf32> -> vector<400x128xf32>
    %get3A_6 = arith.constant 0 : index
    %get3A_7 = arith.constant 0 : index
    %get3A_8 = vector.load %arg3[%get3A_6, %get3A_7] : memref<1x128xf32, #tpu.memory_space<vmem>>, vector<1x128xf32>
    %add3A = vector.broadcast %get3A_8 : vector<1x128xf32> to vector<400x128xf32>
    %add3A_9 = arith.addf %dot_general3A_5, %add3A : vector<400x128xf32>
    %swap3A = arith.constant 0 : index
    %swap3A_10 = arith.constant 0 : index
    %swap3A_11 = vector.load %arg7[%swap3A, %swap3A_10] : memref<400x128xf32, #tpu.memory_space<vmem>>, vector<400x128xf32>
    tpu.vector_store %arg7[%swap3A, %swap3A_10], %add3A_9 {strides = array<i32>} : memref<400x128xf32, #tpu.memory_space<vmem>>, vector<400x128xf32>,
    %get3A_12 = arith.constant 0 : index
    %get3A_13 = arith.constant 0 : index
    %get3A_14 = vector.load %arg4[%get3A_12, %get3A_13] : memref<128x16xf32, #tpu.memory_space<vmem>>, vector<128x16xf32>
    %dot_general3A_15 = arith.constant dense<0.000000e+00> : vector<400x16xf32>
    %dot_general3A_16 = tpu.matmul %get3A_1, %get3A_14, %dot_general3A_15 {dimension_numbers = #tpu.dot_dimension_numbers<[1], [0], [0], [1], [0, 0, 1, 1], [], []>, transpose_lhs_hint = false} : vector<400x128xf32>, vector<128x16xf32>, vector<400x16xf32> -> vector<400x16xf32>
    %get3A_17 = arith.constant 0 : index
    %get3A_18 = arith.constant 0 : index
    %get3A_19 = vector.load %arg6[%get3A_17, %get3A_18] : memref<1x16xf32, #tpu.memory_space<vmem>>, vector<1x16xf32>
    %add3A_20 = vector.broadcast %get3A_19 : vector<1x16xf32> to vector<400x16xf32>
    %add3A_21 = arith.addf %dot_general3A_16, %add3A_20 : vector<400x16xf32>
    %swap3A_22 = arith.constant 0 : index
    %swap3A_23 = arith.constant 0 : index
    %swap3A_24 = vector.load %arg8[%swap3A_22, %swap3A_23] : memref<400x16xf32, #tpu.memory_space<vmem>>, vector<400x16xf32>
    tpu.vector_store %arg8[%swap3A_22, %swap3A_23], %add3A_21 {strides = array<i32>} : memref<400x16xf32, #tpu.memory_space<vmem>>, vector<400x16xf32>,
    %get3A_25 = arith.constant 0 : index
    %get3A_26 = arith.constant 0 : index
    %get3A_27 = vector.load %arg5[%get3A_25, %get3A_26] : memref<128x16xf32, #tpu.memory_space<vmem>>, vector<128x16xf32>
    %dot_general3A_28 = arith.constant dense<0.000000e+00> : vector<400x16xf32>
    %dot_general3A_29 = tpu.matmul %get3A_1, %get3A_27, %dot_general3A_28 {dimension_numbers = #tpu.dot_dimension_numbers<[1], [0], [0], [1], [0, 0, 1, 1], [], []>, transpose_lhs_hint = false} : vector<400x128xf32>, vector<128x16xf32>, vector<400x16xf32> -> vector<400x16xf32>
    %swap3A_30 = arith.constant 0 : index
    %swap3A_31 = arith.constant 0 : index
    %swap3A_32 = vector.load %arg9[%swap3A_30, %swap3A_31] : memref<400x16xf32, #tpu.memory_space<vmem>>, vector<400x16xf32>
    tpu.vector_store %arg9[%swap3A_30, %swap3A_31], %dot_general3A_29 {strides = array<i32>} : memref<400x16xf32, #tpu.memory_space<vmem>>, vector<400x16xf32>,
    return
  }
  func.func @transform_0(%arg0: i32) -> (i32, i32) {
    %c0_i32 = arith.constant 0 : i32
    %c0_i32_0 = arith.constant 0 : i32
    return %arg0, %c0_i32 : i32, i32
  }
  func.func @transform_1(%arg0: i32) -> (i32, i32) {
    %c0_i32 = arith.constant 0 : i32
    %c0_i32_0 = arith.constant 0 : i32
    %c0_i32_1 = arith.constant 0 : i32
    return %c0_i32, %c0_i32_0 : i32, i32
  }
  func.func @transform_2(%arg0: i32) -> (i32, i32) {
    %c0_i32 = arith.constant 0 : i32
    %c0_i32_0 = arith.constant 0 : i32
    %c0_i32_1 = arith.constant 0 : i32
    return %c0_i32, %c0_i32_0 : i32, i32
  }
  func.func @transform_3(%arg0: i32) -> (i32, i32) {
    %c0_i32 = arith.constant 0 : i32
    %c0_i32_0 = arith.constant 0 : i32
    %c0_i32_1 = arith.constant 0 : i32
    return %c0_i32, %c0_i32_0 : i32, i32
  }
  func.func @transform_4(%arg0: i32) -> (i32, i32) {
    %c0_i32 = arith.constant 0 : i32
    %c0_i32_0 = arith.constant 0 : i32
    %c0_i32_1 = arith.constant 0 : i32
    return %c0_i32, %c0_i32_0 : i32, i32
  }
  func.func @transform_5(%arg0: i32) -> (i32, i32) {
    %c0_i32 = arith.constant 0 : i32
    %c0_i32_0 = arith.constant 0 : i32
    %c0_i32_1 = arith.constant 0 : i32
    return %c0_i32, %c0_i32_0 : i32, i32
  }
  func.func @transform_6(%arg0: i32) -> (i32, i32) {
    %c0_i32 = arith.constant 0 : i32
    %c0_i32_0 = arith.constant 0 : i32
    return %arg0, %c0_i32 : i32, i32
  }
  func.func @transform_7(%arg0: i32) -> (i32, i32) {
    %c0_i32 = arith.constant 0 : i32
    %c0_i32_0 = arith.constant 0 : i32
    return %arg0, %c0_i32 : i32, i32
  }
  func.func @transform_8(%arg0: i32) -> (i32, i32) {
    %c0_i32 = arith.constant 0 : i32
    %c0_i32_0 = arith.constant 0 : i32
    return %arg0, %c0_i32 : i32, i32
  }
}

module attributes {stable_mosaic.version = 14 : i64} {
  func.func @_rdenom_body(%arg0: memref<2x1280x128xf32, #tpu.memory_space<vmem>>, %arg1: memref<1280x128xf32, #tpu.memory_space<vmem>>) attributes {dimension_semantics = [], scalar_prefetch = 0 : i64, scratch_operands = 0 : i64, tpu.core_type = #tpu.core_type<tc>} {
    %get3A = arith.constant 0 : index
    %get3A_0 = arith.constant 0 : index
    %get3A_1 = arith.constant 0 : index
    %get3A_2 = vector.load %arg0[%get3A, %get3A_0, %get3A_1] : memref<2x1280x128xf32, #tpu.memory_space<vmem>>, vector<1x1280x128xf32>
    %get3A_3 = vector.shape_cast %get3A_2 : vector<1x1280x128xf32> to vector<1280x128xf32>
    %get3A_4 = arith.constant 1 : index
    %get3A_5 = arith.constant 0 : index
    %get3A_6 = arith.constant 0 : index
    %get3A_7 = vector.load %arg0[%get3A_4, %get3A_5, %get3A_6] : memref<2x1280x128xf32, #tpu.memory_space<vmem>>, vector<1x1280x128xf32>
    %get3A_8 = vector.shape_cast %get3A_7 : vector<1x1280x128xf32> to vector<1280x128xf32>
    %add3A = arith.addf %get3A_3, %get3A_8 : vector<1280x128xf32>
    %div3A = arith.constant 1.000000e+00 : f32
    %div3A_9 = vector.broadcast %div3A : f32 to vector<1280x128xf32>
    %div3A_10 = arith.divf %div3A_9, %add3A : vector<1280x128xf32>
    %swap3A = arith.constant 0 : index
    %swap3A_11 = arith.constant 0 : index
    %swap3A_12 = vector.load %arg1[%swap3A, %swap3A_11] : memref<1280x128xf32, #tpu.memory_space<vmem>>, vector<1280x128xf32>
    tpu.vector_store %arg1[%swap3A, %swap3A_11], %div3A_10 {strides = array<i32>} : memref<1280x128xf32, #tpu.memory_space<vmem>>, vector<1280x128xf32>,
    return
  }
}

module attributes {stable_mosaic.version = 14 : i64} {
  func.func @_final_body(%arg0: i32, %arg1: memref<2x400x128xf32, #tpu.memory_space<vmem>>, %arg2: memref<400x128xf32, #tpu.memory_space<vmem>>) attributes {dimension_semantics = [#tpu.dimension_semantics<arbitrary>], iteration_bounds = array<i64: 25>, scalar_prefetch = 0 : i64, scratch_operands = 0 : i64, tpu.core_type = #tpu.core_type<tc>, window_params = [{transform_indices = @transform_0, window_bounds = array<i64: 2, 400, 128>}, {transform_indices = @transform_1, window_bounds = array<i64: 400, 128>}]} {
    %get3A = arith.constant 0 : index
    %get3A_0 = arith.constant 0 : index
    %get3A_1 = arith.constant 0 : index
    %get3A_2 = vector.load %arg1[%get3A, %get3A_0, %get3A_1] : memref<2x400x128xf32, #tpu.memory_space<vmem>>, vector<1x400x128xf32>
    %get3A_3 = vector.shape_cast %get3A_2 : vector<1x400x128xf32> to vector<400x128xf32>
    %get3A_4 = arith.constant 1 : index
    %get3A_5 = arith.constant 0 : index
    %get3A_6 = arith.constant 0 : index
    %get3A_7 = vector.load %arg1[%get3A_4, %get3A_5, %get3A_6] : memref<2x400x128xf32, #tpu.memory_space<vmem>>, vector<1x400x128xf32>
    %get3A_8 = vector.shape_cast %get3A_7 : vector<1x400x128xf32> to vector<400x128xf32>
    %add3A = arith.addf %get3A_3, %get3A_8 : vector<400x128xf32>
    %max3A = arith.constant 0.000000e+00 : f32
    %max3A_9 = vector.broadcast %max3A : f32 to vector<400x128xf32>
    %max3A_10 = arith.maximumf %add3A, %max3A_9 : vector<400x128xf32>
    %swap3A = arith.constant 0 : index
    %swap3A_11 = arith.constant 0 : index
    %swap3A_12 = vector.load %arg2[%swap3A, %swap3A_11] : memref<400x128xf32, #tpu.memory_space<vmem>>, vector<400x128xf32>
    tpu.vector_store %arg2[%swap3A, %swap3A_11], %max3A_10 {strides = array<i32>} : memref<400x128xf32, #tpu.memory_space<vmem>>, vector<400x128xf32>,
    return
  }
  func.func @transform_0(%arg0: i32) -> (i32, i32, i32) {
    %c0_i32 = arith.constant 0 : i32
    %c0_i32_0 = arith.constant 0 : i32
    %c0_i32_1 = arith.constant 0 : i32
    return %c0_i32, %arg0, %c0_i32_0 : i32, i32, i32
  }
  func.func @transform_1(%arg0: i32) -> (i32, i32) {
    %c0_i32 = arith.constant 0 : i32
    %c0_i32_0 = arith.constant 0 : i32
    return %arg0, %c0_i32 : i32, i32
  }
}

</mosaic_0001>

<sc_bundles>
// kernel: kernel.10.cloned.1.call-start
scs
__scs_entry_jumppad:
0x0: {  	(pc) =	sbr.rel $0x88, $3  }
0x1: {  	(tag) =	ssettag $0x0;
	lr =	simm.s32 $0x1  }
0x2: {  	[smem:$0x3F9B] =	sst lr;
	_ =	strace $0xD0000000  }
0x3: {  	_ = 	snop  }
0x4: {  	_ = 	snop  }
0x5: {  	_ = 	snop  }
0x6: {  	_ = 	snop  }
0x7: {  	_ = 	snop  }
__scs_overlays_trampoline_lowered:
0x8: {  	[smem:$0x3FAA] =	sst s0  }
0x9: {  	[smem:$0x3FAB] =	sst s1  }
0xa: {  	[smem:$0x3FAC] =	sst s2  }
0xb: {  	[smem:$0x3FAD] =	sst s3  }
0xc: {  	[smem:$0x3FAE] =	sst s4  }
0xd: {  	[smem:$0x3FAF] =	sst s5  }
0xe: {  	[smem:$0x3FB0] =	sst s6  }
0xf: {  	[smem:$0x3FB1] =	sst s7  }
0x10: {  	[smem:$0x3FB2] =	sst s8  }
0x11: {  	[smem:$0x3FB3] =	sst s9;
	s0 =	simm.s32 @!p0 $0x0  }
0x12: {  	s1 =	sld [smem:$0x3F99];
	s0 =	simm.s32 @p0 $0x1  }
0x13: {  	[smem:$0x3FB4] =	sst s0;
	s0 =	simm.s32 @!p1 $0x0  }
0x14: {  	s2 =	sld [smem:$0x3F98];
	s0 =	simm.s32 @p1 $0x1  }
0x15: {  	[smem:$0x3FB5] =	sst s0;
	s0 =	simm.s32 @!p2 $0x0  }
0x16: {  	s3 =	sld [smem:$0x3FDB];
	s0 =	simm.s32 @p2 $0x1  }
0x17: {  	s4 =	simm.s32 $0x1BF5;
	[smem:$0x3FB7] =	sst s0  }
0x18: {  	s0 =	sld [smem:$0x3F9A];
	_ =	swait.ge [sflag:s4], $0x0  }
0x19: {  	s7 =	sld [smem:$0x3F9B]  }
0x1a: {  	s8 =	sadd.s32 $0xFFFFE003, lr  }
0x1b: {  	s9 =	sadd.s32 $0xFFFFFEF7, lr;
	s5 =	simm.s32 $0xFFFFFFFF;
	p2 =	slt.u32 s8, $0xFFFFF086  }
0x1c: {  	p1 =	slt.u32 s9, $0xF7A;
	s5 =	simm.s32 @!p2 $0x0  }
0x1d: {  	s5 =	simm.s32 @p1 $0x1;
	p0 =	seq.s32 s7, s2  }
0x1e: {  	s7 =	smul.u32 @!p0 $0xF7A, s2;
	p2 =	seq.s32 @!p0 s5, $0x0  }
0x1f: {  	s9 =	smul.u32 $0xF7A, s1;
	s8 =	simm.s32 @!p0 $0x1BF5;
	p2 =	por !p2, p0  }
0x20: {  	[sflag:s8] =	ssyncset.s32 @!p0 $0xFFFFF086;
	s6 =	sadd.s32 @!p0 s3, s7;
	s7 =	simm.s32 @!p0 $0x108  }
0x21: {  	s3 =	sadd.s32 s3, s9;
	s6 =	sadd.s32 @!p0 $0x88, s6;
	s7 =	simm.s32 @p2 $0x1082  }
0x22: {  	[simem:s7], [sflag:s8] =	dma.local @!p0 [hbm:s6], $0xF7A  }
0x23: {  	s9 =	sor.u32 $0xD0000000, s2;
	s6 =	simm.s32 $0x108;
	_ =	swait.ge @!p0 [sflag:s8], $0x0  }
0x24: {  	s3 =	sadd.s32 $0x88, s3;
	s6 =	simm.s32 @!p1 $0x1082;
	[sflag:s4] =	ssyncset.s32 $0xFFFFF086  }
0x25: {  	[simem:s6], [sflag:s4] =	dma.local [hbm:s3], $0xF7A  }
0x26: {  	[smem:$0x3F9B] =	sst s1;
	(tag) =	ssettag s2;
	_ =	strace s9  }
0x27: {  	s1 =	sld [smem:$0x3FAB]  }
0x28: {  	s2 =	sld [smem:$0x3FAC]  }
0x29: {  	s4 =	sld [smem:$0x3FAE]  }
0x2a: {  	p0 =	seq.s32 s5, $0x0;
	s5 =	sld [smem:$0x3FAF]  }
0x2b: {  	s6 =	sld [smem:$0x3FB0]  }
0x2c: {  	s7 =	sld [smem:$0x3FB1]  }
0x2d: {  	s3 =	simm.s32 $0x108;
	s8 =	sld [smem:$0x3FB2]  }
0x2e: {  	s3 =	simm.s32 @!p0 $0x1082;
	s9 =	sld [smem:$0x3FB3]  }
0x2f: {  	lr =	sadd.s32 s0, s3;
	s0 =	sld [smem:$0x3FAA]  }
0x30: {  	s3 =	sld [smem:$0x3FAD]  }
0x31: {  	[smem:$0x3FB6] =	sst s10  }
0x32: {  	s10 =	sld [smem:$0x3FB4];
	_ =	sdelay $0x3  }
0x33: {  	p0 =	seq.s32 s10, $0x1;
	s10 =	sld [smem:$0x3FB6];
	_ =	sdelay $0x3  }
0x34: {  	[smem:$0x3FB6] =	sst s10  }
0x35: {  	s10 =	sld [smem:$0x3FB5];
	_ =	sdelay $0x3  }
0x36: {  	p1 =	seq.s32 s10, $0x1;
	s10 =	sld [smem:$0x3FB6];
	_ =	sdelay $0x3  }
0x37: {  	[smem:$0x3FB6] =	sst s10  }
0x38: {  	s10 =	sld [smem:$0x3FB7]  }
0x39: {  	_ = 	snop;
	(pc) =	sbr.ind lr, $3  }
0x3a: {  	_ = 	snop  }
0x3b: {  	_ = 	snop  }
0x3c: {  	p2 =	seq.s32 s10, $0x1;
	s10 =	sld [smem:$0x3FB6]  }
0x3d: {  	_ =	shalt  }
0x3e: {  	_ =	shalt  }
0x3f: {  	_ =	shalt  }
0x40: {  	_ =	shalt  }
0x41: {  	_ =	shalt  }
0x42: {  	_ =	shalt  }
0x43: {  	_ =	shalt  }
0x44: {  	_ =	shalt  }
0x45: {  	_ =	shalt  }
0x46: {  	_ =	shalt  }
0x47: {  	_ =	shalt  }
0x48: {  	_ =	shalt  }
0x49: {  	_ =	shalt  }
0x4a: {  	_ =	shalt  }
0x4b: {  	_ =	shalt  }
0x4c: {  	_ =	shalt  }
0x4d: {  	_ =	shalt  }
0x4e: {  	_ =	shalt  }
0x4f: {  	_ =	shalt  }
0x50: {  	_ =	shalt  }
0x51: {  	_ =	shalt  }
0x52: {  	_ =	shalt  }
0x53: {  	_ =	shalt  }
0x54: {  	_ =	shalt  }
0x55: {  	_ =	shalt  }
0x56: {  	_ =	shalt  }
0x57: {  	_ =	shalt  }
0x58: {  	_ =	shalt  }
0x59: {  	_ =	shalt  }
0x5a: {  	_ =	shalt  }
0x5b: {  	_ =	shalt  }
0x5c: {  	_ =	shalt  }
0x5d: {  	_ =	shalt  }
0x5e: {  	_ =	shalt  }
0x5f: {  	_ =	shalt  }
0x60: {  	_ =	shalt  }
0x61: {  	_ =	shalt  }
0x62: {  	_ =	shalt  }
0x63: {  	_ =	shalt  }
0x64: {  	_ =	shalt  }
0x65: {  	_ =	shalt  }
0x66: {  	_ =	shalt  }
0x67: {  	_ =	shalt  }
0x68: {  	_ =	shalt  }
0x69: {  	_ =	shalt  }
0x6a: {  	_ =	shalt  }
0x6b: {  	_ =	shalt  }
0x6c: {  	_ =	shalt  }
0x6d: {  	_ =	shalt  }
0x6e: {  	_ =	shalt  }
0x6f: {  	_ =	shalt  }
0x70: {  	_ =	shalt  }
0x71: {  	_ =	shalt  }
0x72: {  	_ =	shalt  }
0x73: {  	_ =	shalt  }
0x74: {  	_ =	shalt  }
0x75: {  	_ =	shalt  }
0x76: {  	_ =	shalt  }
0x77: {  	_ =	shalt  }
0x78: {  	_ =	shalt  }
0x79: {  	_ =	shalt  }
0x7a: {  	_ =	shalt  }
0x7b: {  	_ =	shalt  }
0x7c: {  	_ =	shalt  }
0x7d: {  	_ =	shalt  }
0x7e: {  	_ =	shalt  }
0x7f: {  	_ =	shalt  }
0x80: {  	_ =	shalt  }
0x81: {  	_ =	shalt  }
0x82: {  	_ =	shalt  }
0x83: {  	_ =	shalt  }
0x84: {  	_ =	shalt  }
0x85: {  	_ =	shalt  }
0x86: {  	_ =	shalt  }
0x87: {  	_ =	shalt  }
.Lfunc_end0:
.L_simem_size_0:
called_computation.1_lowered:
.L_overlay_start_0:
0x88: {  	s2 =	sld [smem:$0x3FD9]  }
0x89: {  	s3 =	sld [smem:$0x3FFE];
	_ =	sdelay $0x1  }
0x8a: {  	s1 =	srdreg.scid  }
0x8b: {  	s0 =	sand.u32 $0x1, s1  }
0x8c: {  	s17 =	sshll.u32 s0, $0xA;
	s2 =	sadd.s32 s3, s2  }
0x8d: {  	s2 =	sadd.s32 s2, s17  }
0x8e: {  	[smem:$0x3FC2] =	sst s2  }
0x8f: {  	_ = 	snop  }
0x90: {  	s2 =	sld [smem:$0x3FD0];
	(tm) =	ssettm $0x1  }
0x91: {  	s18 =	sld [smem:$0x3FFB];
	_ =	sdelay $0x3  }
0x92: {  	_ =	strace s18  }
0x93: {  	s3 =	sld [smem:$0x3FFC];
	_ =	sdelay $0x3  }
0x94: {  	_ =	strace s3  }
0x95: {  	s3 =	sld [smem:$0x3FFD];
	_ =	sdelay $0x3  }
0x96: {  	_ =	strace s3  }
0x97: {  	_ =	strace $0x8FFFFFFF  }
0x98: {  	s19 =	sld [smem:$0x3FDB];
	_ =	sdelay $0x1  }
0x99: {  	s4 =	simm.s32 $_scs_section_size  }
0x9a: {  	s5 =	simm.s32 $_size__tile_overlayer_lowered;
	s6 =	simm.s32 $_tile_overlayer_lowered  }
0x9b: {  	s22 =	simm.s32 $0x1BFF;
	s21 =	sshll.u32 s6, $0x1;
	s3 =	sadd.s32 s4, s19  }
0x9c: {  	s7 =	simm.s32 $0x0;
	s20 =	sshll.u32 s5, $0x1;
	s5 =	sadd.s32 s21, s3  }
0x9d: {  	[timem:s7], [sflag:s22] =	dma.local [hbm:s5], s20  }
0x9e: {  	_ =	swait.ge [sflag:s22], s20  }
0x9f: {  	s4 =	ssub.s32 $0x0, s20;
	[sflag:s22] =	ssyncset.done $0x0  }
0xa0: {  	[sflag:s22] =	ssyncadd.s32 s4;
	_ =	sdelay $0x1  }
0xa1: {  	s23 =	simm.s32 $0x1B8B  }
0xa2: {  	_ =	swait.ge [sflag:s23], $0x1  }
0xa3: {  	[sflag:s23] =	ssyncset.done $0x0  }
0xa4: {  	s25 =	simm.s32 $0x1B8E;
	s24 =	sld [smem:$0x3FFE];
	[sflag:s23] =	ssyncadd.s32 $0xFFFFFFFF  }
0xa5: {  	s26 =	simm.s32 $execute0_lowered;
	[smem:$0x3FD2] =	sst s25  }
0xa6: {  	s5 =	sshll.u32 s26, $0x1;
	_ =	strace $0x80000049;
	[dreg:$0x1] =	wrdreg $0xFFFFFFFF  }
0xa7: {  	s28 =	simm.s32 $_size_execute0_lowered;
	s3 =	sadd.s32 s3, s5;
	[dreg:$0x0] =	wrdreg $0x0  }
0xa8: {  	s5 =	sshll.u32 s28, $0x1;
	[dreg:$0x2] =	wrdreg s3  }
0xa9: {  	[dreg:$0x3] =	wrdreg s5  }
0xaa: {  	[dreg:$0x4] =	wrdreg $0xC0  }
0xab: {  	_ =	task [dreg:s7], $0x5FFFF  }
0xac: {  	[dreg:$0x1] =	wrdreg $0xFFFFFFFF  }
0xad: {  	[dreg:$0x0] =	wrdreg $0x60  }
0xae: {  	[dreg:$0x2] =	wrdreg s24  }
0xaf: {  	[dreg:$0x3] =	wrdreg s2  }
0xb0: {  	[dreg:$0x4] =	wrdreg $0xAD700  }
0xb1: {  	[dreg:$0x5] =	wrdreg $0x9  }
0xb2: {  	_ =	task.clear_ibuf [dreg:s7], $0x6FFFF;
	_ =	strace $0x90000049  }
0xb3: {  	s29 =	simm.s32 $0x9;
	_ =	strace $0x8000004B  }
0xb4: {  	_ =	swait.ge [sflag:s29], $0x1  }
0xb5: {  	[sflag:s29] =	ssyncadd.s32 $0xFFFFFFFF  }
0xb6: {  	_ =	strace $0x9000004B  }
0xb7: {  	_ =	sfence  }
0xb8: {  	s30 =	sld [smem:$0x0];
	_ =	sdelay $0x2  }
0xb9: {  	s31 =	sshll.u32 s1, $0xD;
	s1 =	sshrl.u32 s1, $0x2  }
0xba: {  	s3 =	sand.u32 $0x4000, s31;
	s1 =	sadd.s32 s1, s30  }
0xbb: {  	s0 =	sor.u32 s3, s0;
	s1 =	sshll.u32 s1, $0x11  }
0xbc: {  	s0 =	sor.u32 s1, s0  }
0xbd: {  	s0 =	sadd.s32 $0x8F2B, s0  }
0xbe: {  	[sflag:s0] =	ssyncadd.remote.s32 $0x1  }
0xbf: {  	_ =	sfence.sel $0xFFFF  }
0xc0: {  	[dreg:$0x0] =	wrdreg $0xFFFFFFFF;
	(pc) =	sbr.abs _section_cstart, $3  }
0xc1: {  	[dreg:$0x1] =	wrdreg $0xFFFFFFFF  }
0xc2: {  	_ =	task.clear_ibuf [dreg:s7], $0x2FFFF;
	_ =	strace $0x9FFFFFFF  }
0xc3: {  	(tm) =	ssettm $0x7FFFFFFF  }
tec
execute0_lowered:
.L_overlay_start_1:
0x0: {  	(tag) =	ssettag $0x1  }
0x1: {  	s7 =	rddreg [dreg:$0x0]  }
0x2: {  	s0 =	srdreg.scid;
	s2 =	rddreg [dreg:$0x1]  }
0x3: {  	s3 =	rddreg [dreg:$0x2];
	s4 =	simm.s32 $0x0;
	s16 =	simm.s32 $0x4E20  }
0x4: {  	s17 =	simm.s32 $0x50;
	s18 =	simm.s32 $0x5320;
	s19 =	simm.s32 $0x5D70  }
0x5: {  	s20 =	simm.s32 $0x5D20;
	s6 =	sand.u32 $0x1, s0;
	s0 =	stileid.u32  }
0x6: {  	s21 =	simm.s32 $0x0;
	s1 =	sshll.u32 s6, $0x4;
	s9 =	smul.u32 $0x14000, s0  }
0x7: {  	[smem:$0x7FF] =	sst s4;
	s10 =	smul.u32 $0x140000, s6;
	s1 =	sor.u32 s0, s1  }
0x8: {  	s6 =	ssub.s32 $0x2, s6;
	s31 =	sshll.u32 s0, $0x6;
	s5 =	smul.u32 $0x4E2, s1  }
0x9: {  	s13 =	sshrl.u32 s6, $0x1;
	s8 =	smul.u32 $0x2710, s1;
	s1 =	rddreg [dreg:$0x3]  }
0xa: {  	_ =	strace $0x8000004A;
	s29 =	sadd.s32 s9, s10;
	s30 =	sshrl.u32 s9, $0x3  }
0xb: {  	s13 =	ssub.s32 s6, s13;
	s15 =	sadd.s32 s9, s3;
	s10 =	sadd.s32 s30, s7  }
0xc: {  	s11 =	sadd.s32 s5, s7;
	s12 =	sadd.s32 s8, s7;
	s8 =	sshrl.u32 s29, $0x3  }
0xd: {  	s5 =	sadd.s32 $0x14800, s7;
	s6 =	sadd.s32 $0x7BA00, s10;
	s14 =	sadd.s32 s8, s7  }
0xe: {  	s7 =	sor.u32 $0x1C03, s31;
	s8 =	sadd.s32 $0xAA00, s11;
	s9 =	sadd.s32 $0xC00, s11  }
0xf: {  	s10 =	sadd.s32 $0x2D800, s12;
	s12 =	smax.u32 s13, $0x1;
	s13 =	sshrl.u32 s15, $0x3  }
0x10: {  	v0 =	vlaneseq.u32;
	s15 =	simm.s32 $0x2710;
	s11 =	sadd.s32 $0xA3A00, s14;
	s14 =	simm.s32 $0x3  }
.LBB2_1:
0x11: {  	[spmem:s13], [sflag:s7] =	dma.local [hbm:s6], $0x2800  }
0x12: {  	_ =	swait.ge [sflag:s14], $0x2800  }
0x13: {  	[sflag:s14] =	ssyncset.done $0x0  }
0x14: {  	[sflag:s14] =	ssyncadd.s32 $0xFFFFD800  }
0x15: {  	[tilespmem:s4], [sflag:$0x3] =	stream.linear.gather [hbm4b:s8+s4], $0x2710, $0x38;
	[tilespmem:$0x1ED70] =	vst v63  }
0x16: {  	_ =	swait.ge [sflag:s14], $0x2710  }
0x17: {  	[sflag:s14] =	ssyncset.done $0x0  }
0x18: {  	[sflag:s14] =	ssyncadd.s32 $0xFFFFD8F0  }
0x19: {  	[tilespmem:s15], [sflag:$0x3] =	stream.linear.gather [hbm4b:s9+s4], $0x2710, $0x38;
	[tilespmem:$0x1ED70] =	vst v63  }
0x1a: {  	_ =	swait.ge [sflag:s14], $0x2710  }
0x1b: {  	[sflag:s14] =	ssyncset.done $0x0  }
0x1c: {  	[sflag:s14] =	ssyncadd.s32 $0xFFFFD8F0  }
0x1d: {  	[bflag:$0x0] =	sbarrier.arrive $0xFFFF  }
0x1e: {  	[tilespmem:s16], [sflag:$0x1] =	stream.linear.gather [hbm4b:s10+s4], $0x280, $0x38;
	[tilespmem:$0x1ED70] =	vst v63  }
0x1f: {  	_ = 	snop  }
0x20: {  	[tilespmem:s18], [sflag:$0x1] =	stream.indirect.gather [hbm4b:s5+s17], $0x10, s4, s17, $0xb8;
	[tilespmem:$0x1ED70] =	vst v63  }
0x21: {  	p0 =	por $0x0, $0x0;
	s22 =	simm.s32 $0x0  }
0x22: {  	[tilespmem:s19], [sflag:$0x1] =	stream.indirect.gather [hbm4b:s2+s17], $0x80, s15, s17, $0xb8;
	[tilespmem:$0x1ED70] =	vst v63  }
.LBB2_2:
0x23: {  	s25 =	sand.u32 $0x1, s22  }
0x24: {  	p1 =	seq.s32 s25, $0x1  }
0x25: {  	s23 =	simm.s32 @!p1 $0x1  }
0x26: {  	_ =	swait.ge @!p1 [sflag:s23], $0x280  }
0x27: {  	[sflag:s23] =	ssyncset.done @!p1 $0x0  }
0x28: {  	[sflag:s23] =	ssyncadd.s32 @!p1 $0xFFFFFD80  }
0x29: {  	_ =	swait.ge @!p1 [sflag:s23], $0x500  }
0x2a: {  	[sflag:s23] =	ssyncset.done @!p1 $0x0  }
0x2b: {  	[sflag:s23] =	ssyncadd.s32 @!p1 $0xFFFFFB00  }
0x2c: {  	_ =	swait.ge @!p1 [sflag:s23], $0x2800  }
0x2d: {  	p3 =	seq.s32 s25, $0x0;
	[sflag:s23] =	ssyncset.done @!p1 $0x0  }
0x2e: {  	s24 =	simm.s32 @!p3 $0x2;
	[sflag:s23] =	ssyncadd.s32 @!p1 $0xFFFFD800  }
0x2f: {  	_ =	swait.ge @!p3 [sflag:s24], $0x280  }
0x30: {  	[sflag:s24] =	ssyncset.done @!p3 $0x0  }
0x31: {  	[sflag:s24] =	ssyncadd.s32 @!p3 $0xFFFFFD80  }
0x32: {  	p2 =	seq.s32 s22, $0x7C;
	_ =	swait.ge @!p3 [sflag:s24], $0x500  }
0x33: {  	p4 =	sne.s32 @!p2 s25, $0x0;
	[sflag:s24] =	ssyncset.done @!p3 $0x0  }
0x34: {  	p2 =	por p4, p2;
	s23 =	sadd.s32 $0x1, s22;
	[sflag:s24] =	ssyncadd.s32 @!p3 $0xFFFFFB00  }
0x35: {  	s26 =	smul.u32 @!p2 $0x50, s23;
	_ =	swait.ge @!p3 [sflag:s24], $0x2800  }
0x36: {  	s28 =	simm.s32 @!p2 $0x0;
	[sflag:s24] =	ssyncset.done @!p3 $0x0  }
0x37: {  	s29 =	simm.s32 @!p2 $0x50A0;
	[sflag:s24] =	ssyncadd.s32 @!p3 $0xFFFFD800;
	s24 =	sadd.s32 @!p2 s26, s10  }
0x38: {  	[tilespmem:s29], [sflag:$0x2] =	stream.linear.gather @!p2 [hbm4b:s24+s28], $0x280, $0x38;
	[tilespmem:$0x1ED70] =	vst v63  }
0x39: {  	s28 =	simm.s32 @!p2 $0x50;
	s29 =	simm.s32 @!p2 $0x5820  }
0x3a: {  	[tilespmem:s29], [sflag:$0x2] =	stream.indirect.gather @!p2 [hbm4b:s5+s28], $0x10, s26, s28, $0xb8;
	[tilespmem:$0x1ED70] =	vst v63  }
0x3b: {  	s30 =	smul.u32 @p1 $0x50, s23;
	s26 =	sadd.s32 @!p2 $0x2710, s26;
	s29 =	simm.s32 @!p2 $0x8570  }
0x3c: {  	[tilespmem:s29], [sflag:$0x2] =	stream.indirect.gather @!p2 [hbm4b:s2+s28], $0x80, s26, s28, $0xb8;
	[tilespmem:$0x1ED70] =	vst v63  }
0x3d: {  	s26 =	sadd.s32 @p1 s30, s10;
	s28 =	simm.s32 @p1 $0x0;
	s29 =	simm.s32 @p1 $0x4E20  }
0x3e: {  	[tilespmem:s29], [sflag:$0x1] =	stream.linear.gather @p1 [hbm4b:s26+s28], $0x280, $0x38;
	[tilespmem:$0x1ED70] =	vst v63  }
0x3f: {  	s26 =	simm.s32 @p1 $0x50;
	s28 =	simm.s32 @p1 $0x5320  }
0x40: {  	[tilespmem:s28], [sflag:$0x1] =	stream.indirect.gather @p1 [hbm4b:s5+s26], $0x10, s30, s26, $0xb8;
	[tilespmem:$0x1ED70] =	vst v63  }
0x41: {  	s28 =	sadd.s32 @p1 $0x2710, s30;
	s30 =	simm.s32 $0x0  }
0x42: {  	s29 =	simm.s32 @p1 $0x5D70;
	v1 =	vor.u32 s30, v0  }
0x43: {  	[tilespmem:s29], [sflag:$0x1] =	stream.indirect.gather @p1 [hbm4b:s2+s26], $0x80, s28, s26, $0xb8;
	v2 =	vshll.u32 v1, $0x4;
	[tilespmem:$0x1ED70] =	vst v63  }
0x44: {  	s28 =	smul.u32 $0x1400, s25;
	v1 =	vshll.u32 v1, $0x3  }
0x45: {  	s31 =	smul.u32 $0xA00, s25;
	v3 =	vor.u32 $0x1, v1  }
0x46: {  	v4 =	vor.u32 $0x1, v2;
	s28 =	sshrl.u32 s28, $0x2  }
0x47: {  	s26 =	sshrl.u32 s31, $0x2;
	v5 =	vor.u32 $0x2, v1;
	s28 =	sadd.s32 $0x5320, s28  }
0x48: {  	s26 =	sadd.s32 $0x4E20, s26;
	v7 =	vor.u32 $0x2, v2;
	v6 =	vld.idx.msk [tilespmem:v2+s28+$0x0], $0xffff  }
0x49: {  	v8 =	vld.idx.msk [tilespmem:v1+s26+$0x0], $0xffff;
	v1 =	vor.u32 $0x3, v1  }
0x4a: {  	v2 =	vor.u32 $0x3, v2;
	v3 =	vld.idx.msk [tilespmem:v3+s26+$0x0], $0xffff  }
0x4b: {  	v4 =	vld.idx.msk [tilespmem:v4+s28+$0x0], $0xffff  }
0x4c: {  	v5 =	vld.idx.msk [tilespmem:v5+s26+$0x0], $0xffff  }
0x4d: {  	v7 =	vld.idx.msk [tilespmem:v7+s28+$0x0], $0xffff  }
0x4e: {  	v1 =	vld.idx.msk [tilespmem:v1+s26+$0x0], $0xffff;
	v6 =	vmul.f32 v6, v8  }
0x4f: {  	v2 =	vld.idx.msk [tilespmem:v2+s28+$0x0], $0xffff  }
0x50: {  	v3 =	vmul.f32 v4, v3;
	v6 =	vadd.f32 $0.0e+00, v6;
	_ =	sdelay $0x1  }
0x51: {  	v4 =	vmul.f32 v7, v5;
	v3 =	vadd.f32 v3, v6;
	_ =	sdelay $0x1  }
0x52: {  	s30 =	simm.s32 $0x10;
	v1 =	vmul.f32 v2, v1;
	v3 =	vadd.f32 v4, v3  }
0x53: {  	v2 =	vor.u32 s30, v0  }
0x54: {  	v4 =	vshll.u32 v2, $0x4;
	v1 =	vadd.f32 v1, v3  }
0x55: {  	v2 =	vshll.u32 v2, $0x3  }
0x56: {  	v3 =	vor.u32 $0x1, v2;
	v1 =	vmul.f32 $2.500000000e-01, v1  }
0x57: {  	s29 =	simm.s32 $0x5D20;
	v5 =	vor.u32 $0x1, v4  }
0x58: {  	v61 =	vor.u32 $0x2, v2;
	[tilespmem:s29+$0x0] =	vst v1  }
0x59: {  	v62 =	vor.u32 $0x2, v4;
	v1 =	vld.idx.msk [tilespmem:v4+s28+$0x0], $0xffff  }
0x5a: {  	v63 =	vld.idx.msk [tilespmem:v2+s26+$0x0], $0xffff;
	v2 =	vor.u32 $0x3, v2  }
0x5b: {  	v3 =	vld.idx.msk [tilespmem:v3+s26+$0x0], $0xffff;
	v4 =	vor.u32 $0x3, v4  }
0x5c: {  	v5 =	vld.idx.msk [tilespmem:v5+s28+$0x0], $0xffff  }
0x5d: {  	v6 =	vld.idx.msk [tilespmem:v61+s26+$0x0], $0xffff  }
0x5e: {  	v7 =	vld.idx.msk [tilespmem:v62+s28+$0x0], $0xffff  }
0x5f: {  	v2 =	vld.idx.msk [tilespmem:v2+s26+$0x0], $0xffff;
	v1 =	vmul.f32 v1, v63  }
0x60: {  	v4 =	vld.idx.msk [tilespmem:v4+s28+$0x0], $0xffff  }
0x61: {  	v3 =	vmul.f32 v5, v3;
	v1 =	vadd.f32 $0.0e+00, v1  }
0x62: {  	s24 =	simm.s32 $0x1  }
0x63: {  	s24 =	simm.s32 @!p0 $0x0;
	v1 =	vadd.f32 v3, v1;
	v3 =	vmul.f32 v7, v6  }
0x64: {  	s24 =	smul.u32 $0xA000, s24  }
0x65: {  	s30 =	simm.s32 $0x20;
	v4 =	vmul.f32 v4, v2;
	v3 =	vadd.f32 v3, v1  }
0x66: {  	s24 =	sshrl.u32 s24, $0x2;
	v2 =	vor.u32 s30, v0  }
0x67: {  	s24 =	sadd.s32 $0x5E70, s24;
	s30 =	simm.s32 $0x30;
	v1 =	vshll.u32 v2, $0x4;
	v3 =	vadd.f32 v4, v3  }
.LBB2_3:
0x68: {  	p1 =	seq.s32 s30, $0x40;
	v2 =	vshll.u32 v2, $0x3  }
0x69: {  	v4 =	vor.u32 $0x1, v2;
	v3 =	vmul.f32 $2.500000000e-01, v3  }
0x6a: {  	v5 =	vor.u32 $0x1, v1;
	s29 =	sadd.s32 $0x10, s29  }
0x6b: {  	v6 =	vor.u32 $0x2, v2;
	[tilespmem:s29+$0x0] =	vst v3  }
0x6c: {  	v7 =	vor.u32 $0x2, v1;
	v3 =	vld.idx.msk [tilespmem:v1+s28+$0x0], $0xffff  }
0x6d: {  	v8 =	vld.idx.msk [tilespmem:v2+s26+$0x0], $0xffff;
	v2 =	vor.u32 $0x3, v2  }
0x6e: {  	v1 =	vor.u32 $0x3, v1;
	v4 =	vld.idx.msk [tilespmem:v4+s26+$0x0], $0xffff  }
0x6f: {  	v5 =	vld.idx.msk [tilespmem:v5+s28+$0x0], $0xffff  }
0x70: {  	v6 =	vld.idx.msk [tilespmem:v6+s26+$0x0], $0xffff  }
0x71: {  	v7 =	vld.idx.msk [tilespmem:v7+s28+$0x0], $0xffff  }
0x72: {  	v2 =	vld.idx.msk [tilespmem:v2+s26+$0x0], $0xffff  }
0x73: {  	v3 =	vmul.f32 v3, v8;
	v1 =	vld.idx.msk [tilespmem:v1+s28+$0x0], $0xffff;
	_ =	sdelay $0x1  }
0x74: {  	v3 =	vadd.f32 $0.0e+00, v3;
	v4 =	vmul.f32 v5, v4;
	_ =	sdelay $0x1  }
.Ltmp0:
0x75: {  	v3 =	vadd.f32 v4, v3;
	v4 =	vmul.f32 v7, v6;
	(pc) =	sbr.rel @!p1 .LBB2_3-.Ltmp0, $4  }
0x76: {  	_ = 	snop  }
0x77: {  	v3 =	vadd.f32 v4, v3;
	v4 =	vmul.f32 v1, v2  }
0x78: {  	v2 =	vor.u32 s30, v0  }
0x79: {  	s30 =	sadd.s32 $0x10, s30;
	v1 =	vshll.u32 v2, $0x4;
	v3 =	vadd.f32 v4, v3  }
0x7a: {  	v2 =	vshll.u32 v2, $0x3  }
0x7b: {  	v5 =	vor.u32 $0x1, v1;
	v3 =	vmul.f32 $2.500000000e-01, v3  }
0x7c: {  	s29 =	sadd.s32 $0x10, s29;
	v4 =	vor.u32 $0x1, v2  }
0x7d: {  	v7 =	vor.u32 $0x2, v1;
	[tilespmem:s29+$0x0] =	vst v3  }
0x7e: {  	v6 =	vor.u32 $0x2, v2;
	v3 =	vld.idx.msk [tilespmem:v1+s28+$0x0], $0xffff  }
0x7f: {  	v1 =	vor.u32 $0x3, v1;
	v8 =	vld.idx.msk [tilespmem:v2+s26+$0x0], $0xffff  }
0x80: {  	v2 =	vor.u32 $0x3, v2;
	v5 =	vld.idx.msk [tilespmem:v5+s28+$0x0], $0xffff  }
0x81: {  	v4 =	vld.idx.msk [tilespmem:v4+s26+$0x0], $0xffff  }
0x82: {  	v7 =	vld.idx.msk [tilespmem:v7+s28+$0x0], $0xffff  }
0x83: {  	v6 =	vld.idx.msk [tilespmem:v6+s26+$0x0], $0xffff  }
0x84: {  	v1 =	vld.idx.msk [tilespmem:v1+s28+$0x0], $0xffff;
	v3 =	vmul.f32 v3, v8  }
0x85: {  	v2 =	vld.idx.msk [tilespmem:v2+s26+$0x0], $0xffff  }
0x86: {  	v4 =	vmul.f32 v5, v4;
	v3 =	vadd.f32 $0.0e+00, v3;
	_ =	sdelay $0x1  }
0x87: {  	v3 =	vadd.f32 v4, v3;
	v4 =	vmul.f32 v7, v6;
	_ =	sdelay $0x1  }
0x88: {  	v1 =	vmul.f32 v1, v2;
	v3 =	vadd.f32 v4, v3;
	_ =	sdelay $0x1  }
0x89: {  	v1 =	vadd.f32 v1, v3;
	_ =	sdelay $0x1  }
0x8a: {  	v1 =	vmul.f32 $2.500000000e-01, v1  }
0x8b: {  	s30 =	simm.s32 $0x0;
	s31 =	sadd.s32 $0x10, s29  }
0x8c: {  	[tilespmem:s31+$0x0] =	vst v1;
	v1 =	vmov s30;
	s31 =	simm.s32 $0x2  }
0x8d: {  	v1 =	vand.u32 $0xFFFFFFFC, v1;
	v2 =	vmov s31  }
0x8e: {  	v1 =	vbroadcast v1, $0x0;
	v2 =	vand.u32 $0xFFFFFFFE, v2  }
0x8f: {  	v2 =	vbroadcast v2, $0x0  }
0x90: {  	v4 =	vld [tilespmem:s24+$0x70]  }
0x91: {  	v5 =	vld [tilespmem:s24+$0xFFFFFF00]  }
0x92: {  	s30 =	simm.s32 $0x1;
	v6 =	vld [tilespmem:s24+$0xFFFFFF10]  }
0x93: {  	v3 =	vmov s30;
	v7 =	vld [tilespmem:s24+$0xFFFFFF20]  }
0x94: {  	v3 =	vand.u32 $0xFFFFFFFD, v3;
	v1 =	vld.idx.msk [tilespmem:v1+s20+$0x0], $0xffff  }
0x95: {  	v3 =	vbroadcast v3, $0x0;
	v2 =	vld.idx.msk [tilespmem:v2+s20+$0x0], $0xffff  }
0x96: {  	v8 =	vld [tilespmem:s24+$0xFFFFFF30]  }
0x97: {  	v9 =	vld [tilespmem:s24+$0xFFFFFF40]  }
0x98: {  	v10 =	vld [tilespmem:s24+$0xFFFFFF50]  }
0x99: {  	v11 =	vld [tilespmem:s24+$0xFFFFFF60];
	v5 =	vmul.f32 v5, v1  }
0x9a: {  	v13 =	vld [tilespmem:s24+$0x40];
	v4 =	vmul.f32 v4, v2  }
0x9b: {  	v3 =	vld.idx.msk [tilespmem:v3+s20+$0x0], $0xffff;
	[tilespmem:s24+$0xFFFFFF00] =	vst v5;
	v5 =	vmul.f32 v6, v1  }
0x9c: {  	v6 =	vld [tilespmem:s24+$0xFFFFFF70];
	[tilespmem:s24+$0x70] =	vst v4;
	v4 =	vmul.f32 v7, v1  }
0x9d: {  	v7 =	vld [tilespmem:s24+$0xFFFFFF80];
	[tilespmem:s24+$0xFFFFFF10] =	vst v5;
	v5 =	vmul.f32 v8, v1  }
0x9e: {  	v8 =	vld [tilespmem:s24+$0xFFFFFF90];
	[tilespmem:s24+$0xFFFFFF20] =	vst v4;
	v4 =	vmul.f32 v9, v1  }
0x9f: {  	v9 =	vld [tilespmem:s24+$0xFFFFFFA0];
	[tilespmem:s24+$0xFFFFFF30] =	vst v5;
	v5 =	vmul.f32 v10, v1  }
0xa0: {  	v10 =	vld [tilespmem:s24+$0xFFFFFFB0];
	[tilespmem:s24+$0xFFFFFF40] =	vst v4;
	v4 =	vmul.f32 v11, v1  }
0xa1: {  	v11 =	vld [tilespmem:s24+$0xFFFFFFC0];
	v6 =	vmul.f32 v6, v1;
	[tilespmem:s24+$0xFFFFFF50] =	vst v5  }
0xa2: {  	v5 =	vmul.f32 v7, v3;
	v7 =	vld [tilespmem:s24+$0xFFFFFFD0];
	[tilespmem:s24+$0xFFFFFF60] =	vst v4  }
0xa3: {  	s31 =	simm.s32 $0x3;
	v4 =	vld [tilespmem:s24+$0xFFFFFFE0];
	v8 =	vmul.f32 v8, v3;
	[tilespmem:s24+$0xFFFFFF70] =	vst v6  }
0xa4: {  	v12 =	vmov s31;
	v6 =	vld [tilespmem:s24+$0xFFFFFFF0];
	[tilespmem:s24+$0xFFFFFF80] =	vst v5;
	v5 =	vmul.f32 v9, v3  }
0xa5: {  	v9 =	vld [tilespmem:s24+$0x0];
	[tilespmem:s24+$0xFFFFFF90] =	vst v8;
	v8 =	vmul.f32 v10, v3  }
0xa6: {  	v10 =	vld [tilespmem:s24+$0x10];
	[tilespmem:s24+$0xFFFFFFA0] =	vst v5;
	v5 =	vmul.f32 v11, v3  }
0xa7: {  	[tilespmem:s24+$0xFFFFFFB0] =	vst v8;
	v7 =	vmul.f32 v7, v3;
	v8 =	vld [tilespmem:s24+$0x20]  }
0xa8: {  	v11 =	vld [tilespmem:s24+$0x30];
	[tilespmem:s24+$0xFFFFFFC0] =	vst v5;
	v4 =	vmul.f32 v4, v3  }
0xa9: {  	v1 =	vld.idx.msk [tilespmem:v12+s20+$0x0], $0xffff;
	v3 =	vmul.f32 v6, v3;
	[tilespmem:s24+$0xFFFFFFD0] =	vst v7  }
0xaa: {  	s25 =	smul.u32 $0xA000, s25;
	v5 =	vmul.f32 v9, v2;
	[tilespmem:s24+$0xFFFFFFE0] =	vst v4;
	v4 =	vld [tilespmem:s24+$0x50]  }
0xab: {  	s30 =	simm.s32 $0x4;
	[tilespmem:s24+$0xFFFFFFF0] =	vst v3;
	v6 =	vmul.f32 v10, v2;
	v3 =	vld [tilespmem:s24+$0x60]  }
0xac: {  	s25 =	sshrl.u32 s25, $0x2;
	s31 =	simm.s32 $0x7;
	v7 =	vmov s30;
	[tilespmem:s24+$0x0] =	vst v5;
	v9 =	vmul.f32 v8, v2;
	v8 =	vld [tilespmem:s24+$0x80]  }
0xad: {  	s25 =	sadd.s32 $0x5D70, s25;
	s28 =	simm.s32 $0x5;
	v12 =	vand.u32 $0xFFFFFFFC, v7;
	v7 =	vld [tilespmem:s24+$0x90];
	v5 =	vmov s31;
	v10 =	vmul.f32 v11, v2;
	[tilespmem:s24+$0x10] =	vst v6  }
0xae: {  	s29 =	simm.s32 $0x6;
	s26 =	smov.u32 s24;
	v11 =	vmul.f32 v13, v2;
	v6 =	vbroadcast v12, $0x0;
	v12 =	vmov s28;
	s28 =	simm.s32 $0x8;
	[tilespmem:s24+$0x20] =	vst v9;
	v9 =	vld [tilespmem:s24+$0xA0]  }
.LBB2_5:
0xaf: {  	p1 =	slt.u32 s28, $0x4C;
	v12 =	vand.u32 $0xFFFFFFFD, v12;
	v13 =	vmov s29;
	[tilespmem:s24+$0x30] =	vst v10;
	v4 =	vmul.f32 v4, v2;
	v10 =	vld [tilespmem:s24+$0xB0]  }
0xb0: {  	v12 =	vbroadcast v12, $0x0;
	v13 =	vand.u32 $0xFFFFFFFE, v13;
	[tilespmem:s24+$0x40] =	vst v11;
	v2 =	vmul.f32 v3, v2;
	v3 =	vld [tilespmem:s24+$0xC0]  }
0xb1: {  	v11 =	vbroadcast v13, $0x0;
	[tilespmem:s24+$0x50] =	vst v4;
	v4 =	vmul.f32 v8, v1;
	v8 =	vld [tilespmem:s24+$0xD0]  }
0xb2: {  	[tilespmem:s24+$0x60] =	vst v2;
	v2 =	vmul.f32 v7, v1;
	v7 =	vld [tilespmem:s24+$0xE0]  }
0xb3: {  	[tilespmem:s24+$0x80] =	vst v4;
	v4 =	vmul.f32 v9, v1;
	v9 =	vld [tilespmem:s24+$0xF0]  }
0xb4: {  	v5 =	vld.idx.msk [tilespmem:v5+s20+$0x0], $0xffff;
	[tilespmem:s24+$0x90] =	vst v2;
	v2 =	vmul.f32 v10, v1  }
0xb5: {  	v6 =	vld.idx.msk [tilespmem:v6+s20+$0x0], $0xffff;
	[tilespmem:s24+$0xA0] =	vst v4;
	v3 =	vmul.f32 v3, v1  }
0xb6: {  	v4 =	vld.idx.msk [tilespmem:v12+s20+$0x0], $0xffff;
	[tilespmem:s24+$0xB0] =	vst v2;
	v8 =	vmul.f32 v8, v1  }
0xb7: {  	s24 =	sadd.s32 $0x200, s24;
	v2 =	vld.idx.msk [tilespmem:v11+s20+$0x0], $0xffff;
	[tilespmem:s26+$0xC0] =	vst v3;
	v3 =	vmul.f32 v7, v1  }
0xb8: {  	v7 =	vld [tilespmem:s24+$0x70];
	[tilespmem:s26+$0xD0] =	vst v8;
	v9 =	vmul.f32 v9, v1  }
0xb9: {  	v8 =	vld [tilespmem:s24+$0xFFFFFF00];
	[tilespmem:s26+$0xE0] =	vst v3  }
0xba: {  	v1 =	vmov v5;
	v3 =	vld [tilespmem:s24+$0xFFFFFF10];
	[tilespmem:s26+$0xF0] =	vst v9;
	s26 =	smov.u32 s24  }
0xbb: {  	v5 =	vld [tilespmem:s24+$0xFFFFFF20]  }
0xbc: {  	v9 =	vld [tilespmem:s24+$0xFFFFFF30]  }
0xbd: {  	v10 =	vld [tilespmem:s24+$0xFFFFFF40];
	v7 =	vmul.f32 v7, v2  }
0xbe: {  	v8 =	vmul.f32 v8, v6;
	v11 =	vld [tilespmem:s24+$0xFFFFFF50]  }
0xbf: {  	v3 =	vmul.f32 v3, v6;
	v12 =	vld [tilespmem:s24+$0xFFFFFF60];
	[tilespmem:s24+$0x70] =	vst v7  }
0xc0: {  	[tilespmem:s24+$0xFFFFFF00] =	vst v8;
	v5 =	vmul.f32 v5, v6;
	v7 =	vld [tilespmem:s24+$0xFFFFFF70]  }
0xc1: {  	[tilespmem:s24+$0xFFFFFF10] =	vst v3;
	v3 =	vmul.f32 v9, v6;
	v8 =	vld [tilespmem:s24+$0xFFFFFF80]  }
0xc2: {  	[tilespmem:s24+$0xFFFFFF20] =	vst v5;
	v5 =	vmul.f32 v10, v6;
	v9 =	vld [tilespmem:s24+$0xFFFFFF90]  }
0xc3: {  	[tilespmem:s24+$0xFFFFFF30] =	vst v3;
	v3 =	vmul.f32 v11, v6;
	v10 =	vld [tilespmem:s24+$0xFFFFFFA0]  }
0xc4: {  	[tilespmem:s24+$0xFFFFFF40] =	vst v5;
	v5 =	vmul.f32 v12, v6;
	v11 =	vld [tilespmem:s24+$0xFFFFFFB0]  }
0xc5: {  	[tilespmem:s24+$0xFFFFFF50] =	vst v3;
	v3 =	vmul.f32 v7, v6;
	v6 =	vld [tilespmem:s24+$0xFFFFFFC0]  }
0xc6: {  	[tilespmem:s24+$0xFFFFFF60] =	vst v5;
	v5 =	vmul.f32 v8, v4;
	v7 =	vld [tilespmem:s24+$0xFFFFFFD0]  }
0xc7: {  	[tilespmem:s24+$0xFFFFFF70] =	vst v3;
	v3 =	vmul.f32 v9, v4;
	v8 =	vld [tilespmem:s24+$0xFFFFFFE0]  }
0xc8: {  	[tilespmem:s24+$0xFFFFFF80] =	vst v5;
	v5 =	vmul.f32 v10, v4;
	v9 =	vld [tilespmem:s24+$0xFFFFFFF0]  }
0xc9: {  	[tilespmem:s24+$0xFFFFFF90] =	vst v3;
	v3 =	vmul.f32 v11, v4;
	v10 =	vld [tilespmem:s24+$0x0]  }
0xca: {  	[tilespmem:s24+$0xFFFFFFA0] =	vst v5;
	v5 =	vmul.f32 v6, v4;
	v6 =	vld [tilespmem:s24+$0x10]  }
0xcb: {  	[tilespmem:s24+$0xFFFFFFB0] =	vst v3;
	v3 =	vmul.f32 v7, v4;
	v7 =	vld [tilespmem:s24+$0x20]  }
0xcc: {  	[tilespmem:s24+$0xFFFFFFC0] =	vst v5;
	v5 =	vmul.f32 v8, v4;
	v11 =	vld [tilespmem:s24+$0x30]  }
0xcd: {  	[tilespmem:s24+$0xFFFFFFD0] =	vst v3;
	v3 =	vmul.f32 v9, v4;
	v9 =	vld [tilespmem:s24+$0x40]  }
.Ltmp1:
0xce: {  	[tilespmem:s24+$0xFFFFFFE0] =	vst v5;
	v5 =	vmul.f32 v10, v2;
	v4 =	vld [tilespmem:s24+$0x50];
	(pc) =	sbr.rel @p1 .LBB2_5-.Ltmp1, $4  }
0xcf: {  	[tilespmem:s24+$0xFFFFFFF0] =	vst v3;
	v6 =	vmul.f32 v6, v2;
	v3 =	vld [tilespmem:s24+$0x60]  }
0xd0: {  	s29 =	sadd.s32 $0x3, s28;
	v10 =	vmov s28;
	[tilespmem:s24+$0x0] =	vst v5;
	v13 =	vmul.f32 v7, v2;
	v8 =	vld [tilespmem:s24+$0x80]  }
0xd1: {  	s30 =	sadd.s32 $0x1, s28;
	v12 =	vand.u32 $0xFFFFFFFC, v10;
	v5 =	vmov s29;
	[tilespmem:s24+$0x10] =	vst v6;
	v10 =	vmul.f32 v11, v2;
	v7 =	vld [tilespmem:s24+$0x90]  }
0xd2: {  	s29 =	sadd.s32 $0x2, s28;
	s28 =	sadd.s32 $0x4, s28;
	v6 =	vbroadcast v12, $0x0;
	v12 =	vmov s30;
	[tilespmem:s24+$0x20] =	vst v13;
	v11 =	vmul.f32 v9, v2;
	v9 =	vld [tilespmem:s24+$0xA0]  }
0xd3: {  	v13 =	vld [tilespmem:s24+$0xB0]  }
0xd4: {  	v15 =	vld [tilespmem:s24+$0xC0]  }
0xd5: {  	v16 =	vld [tilespmem:s24+$0xD0]  }
0xd6: {  	v17 =	vld [tilespmem:s24+$0xE0]  }
0xd7: {  	v29 =	vld [tilespmem:s24+$0xF0];
	[tilespmem:s24+$0x30] =	vst v10;
	v4 =	vmul.f32 v4, v2  }
0xd8: {  	v5 =	vld.idx.msk [tilespmem:v5+s20+$0x0], $0xffff;
	[tilespmem:s24+$0x40] =	vst v11;
	v2 =	vmul.f32 v3, v2  }
0xd9: {  	s28 =	sadd.s32 $0x200, s24;
	v3 =	vld.idx.msk [tilespmem:v6+s20+$0x0], $0xffff;
	v8 =	vmul.f32 v8, v1;
	[tilespmem:s24+$0x50] =	vst v4  }
0xda: {  	v14 =	vmov s29;
	v34 =	vld [tilespmem:s28+$0x70];
	v30 =	vmul.f32 v7, v1;
	[tilespmem:s24+$0x60] =	vst v2  }
0xdb: {  	v14 =	vand.u32 $0xFFFFFFFE, v14;
	v35 =	vld [tilespmem:s28+$0xFFFFFF00];
	[tilespmem:s24+$0x80] =	vst v8;
	v2 =	vmul.f32 v9, v1  }
0xdc: {  	v37 =	vld [tilespmem:s28+$0xFFFFFF10];
	v14 =	vbroadcast v14, $0x0;
	[tilespmem:s24+$0x90] =	vst v30;
	v33 =	vmul.f32 v13, v1  }
0xdd: {  	v38 =	vld [tilespmem:s28+$0xFFFFFF20];
	[tilespmem:s24+$0xA0] =	vst v2;
	v2 =	vmul.f32 v15, v1  }
0xde: {  	v12 =	vand.u32 $0xFFFFFFFD, v12;
	v39 =	vld [tilespmem:s28+$0xFFFFFF30];
	v36 =	vmul.f32 v16, v1;
	[tilespmem:s24+$0xB0] =	vst v33  }
0xdf: {  	v12 =	vbroadcast v12, $0x0;
	v41 =	vld [tilespmem:s28+$0xFFFFFF50];
	[tilespmem:s26+$0xC0] =	vst v2;
	v2 =	vmul.f32 v17, v1  }
0xe0: {  	v43 =	vld [tilespmem:s28+$0xFFFFFF60];
	[tilespmem:s26+$0xD0] =	vst v36;
	v1 =	vmul.f32 v29, v1  }
0xe1: {  	v42 =	vmul.f32 v37, v3;
	[tilespmem:s26+$0xE0] =	vst v2;
	v2 =	vld [tilespmem:s28+$0xFFFFFF40]  }
0xe2: {  	v32 =	vld.idx.msk [tilespmem:v14+s20+$0x0], $0xffff;
	[tilespmem:s26+$0xF0] =	vst v1;
	v1 =	vmul.f32 v35, v3  }
0xe3: {  	v44 =	vld [tilespmem:s28+$0xFFFFFF70];
	v4 =	vmul.f32 v39, v3;
	[tilespmem:s28+$0xFFFFFF10] =	vst v42  }
0xe4: {  	v45 =	vld [tilespmem:s28+$0xFFFFFF80];
	[tilespmem:s28+$0xFFFFFF00] =	vst v1;
	v1 =	vmul.f32 v38, v3  }
0xe5: {  	v46 =	vmul.f32 v41, v3;
	v31 =	vld.idx.msk [tilespmem:v12+s20+$0x0], $0xffff;
	[tilespmem:s28+$0xFFFFFF30] =	vst v4  }
0xe6: {  	[tilespmem:s28+$0xFFFFFF20] =	vst v1;
	v1 =	vmul.f32 v2, v3;
	v2 =	vld [tilespmem:s28+$0xFFFFFF90]  }
0xe7: {  	v47 =	vld [tilespmem:s28+$0xFFFFFFA0];
	[tilespmem:s28+$0xFFFFFF50] =	vst v46;
	v40 =	vmul.f32 v34, v32  }
0xe8: {  	v48 =	vld [tilespmem:s28+$0xFFFFFFB0];
	[tilespmem:s28+$0xFFFFFF40] =	vst v1;
	v1 =	vmul.f32 v43, v3  }
0xe9: {  	v49 =	vld [tilespmem:s28+$0xFFFFFFC0];
	[tilespmem:s28+$0x70] =	vst v40;
	v3 =	vmul.f32 v44, v3  }
0xea: {  	v50 =	vld [tilespmem:s28+$0xFFFFFFD0];
	[tilespmem:s28+$0xFFFFFF60] =	vst v1;
	v1 =	vmul.f32 v45, v31  }
0xeb: {  	[tilespmem:s28+$0xFFFFFF70] =	vst v3;
	v3 =	vld [tilespmem:s28+$0xFFFFFFE0];
	v2 =	vmul.f32 v2, v31  }
0xec: {  	v51 =	vld [tilespmem:s28+$0xFFFFFFF0];
	[tilespmem:s28+$0xFFFFFF80] =	vst v1;
	v1 =	vmul.f32 v47, v31  }
0xed: {  	v52 =	vld [tilespmem:s28+$0x0];
	[tilespmem:s28+$0xFFFFFF90] =	vst v2;
	v2 =	vmul.f32 v48, v31  }
0xee: {  	v53 =	vld [tilespmem:s28+$0x10];
	[tilespmem:s28+$0xFFFFFFA0] =	vst v1;
	v1 =	vmul.f32 v49, v31  }
0xef: {  	v54 =	vld [tilespmem:s28+$0x20];
	[tilespmem:s28+$0xFFFFFFB0] =	vst v2;
	v2 =	vmul.f32 v50, v31  }
0xf0: {  	[tilespmem:s28+$0xFFFFFFC0] =	vst v1;
	v1 =	vmul.f32 v3, v31;
	v3 =	vld [tilespmem:s28+$0x30]  }
0xf1: {  	v55 =	vld [tilespmem:s28+$0x40];
	[tilespmem:s28+$0xFFFFFFD0] =	vst v2;
	v2 =	vmul.f32 v51, v31  }
0xf2: {  	v56 =	vld [tilespmem:s28+$0x50];
	[tilespmem:s28+$0xFFFFFFE0] =	vst v1;
	v1 =	vmul.f32 v52, v32  }
0xf3: {  	v57 =	vld [tilespmem:s28+$0x60];
	[tilespmem:s28+$0xFFFFFFF0] =	vst v2;
	v2 =	vmul.f32 v53, v32  }
0xf4: {  	v58 =	vld [tilespmem:s28+$0x80];
	[tilespmem:s28+$0x0] =	vst v1;
	v1 =	vmul.f32 v54, v32  }
0xf5: {  	[tilespmem:s28+$0x10] =	vst v2;
	v2 =	vmul.f32 v3, v32;
	v3 =	vld [tilespmem:s28+$0x90]  }
0xf6: {  	v59 =	vld [tilespmem:s28+$0xA0];
	[tilespmem:s28+$0x20] =	vst v1;
	v1 =	vmul.f32 v55, v32  }
0xf7: {  	v60 =	vld [tilespmem:s28+$0xB0];
	[tilespmem:s28+$0x30] =	vst v2;
	v2 =	vmul.f32 v56, v32  }
0xf8: {  	v61 =	vld [tilespmem:s28+$0xC0];
	[tilespmem:s28+$0x40] =	vst v1;
	v1 =	vmul.f32 v57, v32  }
0xf9: {  	v62 =	vld [tilespmem:s28+$0xD0];
	[tilespmem:s28+$0x50] =	vst v2;
	v2 =	vmul.f32 v58, v5  }
0xfa: {  	[tilespmem:s28+$0x60] =	vst v1;
	v1 =	vmul.f32 v3, v5;
	v3 =	vld [tilespmem:s28+$0xE0]  }
0xfb: {  	v63 =	vld [tilespmem:s28+$0xF0];
	[tilespmem:s28+$0x80] =	vst v2;
	v2 =	vmul.f32 v59, v5  }
0xfc: {  	[tilespmem:s28+$0x90] =	vst v1;
	v1 =	vmul.f32 v60, v5  }
0xfd: {  	[tilespmem:s28+$0xA0] =	vst v2;
	v2 =	vmul.f32 v61, v5  }
0xfe: {  	[tilespmem:s28+$0xB0] =	vst v1;
	v1 =	vmul.f32 v62, v5  }
0xff: {  	[tilespmem:s28+$0xC0] =	vst v2;
	v2 =	vmul.f32 v3, v5  }
0x100: {  	s22 =	smul.u32 $0x140, s22;
	[tilespmem:s28+$0xD0] =	vst v1;
	v1 =	vmul.f32 v63, v5  }
0x101: {  	p1 =	sne.s32 s23, $0x7D;
	[tilespmem:s28+$0xE0] =	vst v2  }
.Ltmp2:
0x102: {  	s22 =	sshra.s32 s22, $0x2;
	[tilespmem:s28+$0xF0] =	vst v1;
	(pc) =	sbr.rel @p1 .LBB2_2-.Ltmp2, $4  }
0x103: {  	[spmem:s3] =	stream.indirect.scatter.add.f32 [tilespmem:s25], [sflag:$0x3], $0x80, s22, s17, $0xb8;
	[tilespmem:$0x1ED70] =	vst v63  }
0x104: {  	_ =	swait.ge [sflag:s14], $0x2800  }
0x105: {  	[sflag:s14] =	ssyncset.done $0x0  }
0x106: {  	p0 =	por !p0, !p0;
	s22 =	smov.u32 s23;
	[sflag:s14] =	ssyncadd.s32 $0xFFFFD800  }
0x107: {  	s21 =	sadd.s32 $0x1, s21  }
0x108: {  	p0 =	sne.s32 s21, s12  }
.Ltmp3:
0x109: {  	[bflag:$0x0] =	sbarrier.arrive $0xFFFF;
	(pc) =	sbr.rel @p0 .LBB2_1-.Ltmp3, $4  }
0x10a: {  	[hbm:s11], [sflag:s7] =	dma.local [spmem:s13], $0x2800  }
0x10b: {  	_ =	swait.ge [sflag:s14], $0x2800  }
0x10c: {  	[sflag:s14] =	ssyncset.done $0x0  }
0x10d: {  	[sflag:s14] =	ssyncadd.s32 $0xFFFFD800  }
0x10e: {  	_ =	sfence.sel $0x180000  }
0x10f: {  	[bflag:$0x0] =	sbarrier.arrive $0xFFFF  }
0x110: {  	p0 =	sne.s32 s0, $0x0;
	_ =	strace $0x9000004A  }
0x111: {  	s0 =	sadd.s32 @!p0 $0x100000, s1;
	[bflag:$0x2] =	sbarrier.arrive $0xFFFF  }
0x112: {  	[sflag:s0] =	ssyncadd.tile.s32 @!p0 $0x1;
	_ =	shalt  }
.Lfunc_end2:
_tile_overlayer_lowered:
.L_overlay_start_2:
0x113: {  	(tag) =	ssettag $0x2  }
0x114: {  	s0 =	rddreg [dreg:$0x0];
	s2 =	stileid.u32  }
0x115: {  	s1 =	rddreg [dreg:$0x1];
	p0 =	sne.s32 s2, $0x0  }
0x116: {  	s3 =	rddreg [dreg:$0x2];
	[bflag:$0x3] =	sbarrier.arrive $0xFFFF;
	s2 =	simm.s32 @!p0 $0x1C03  }
0x117: {  	[timem:s3], [sflag:s2] =	dma.local @!p0 [hbm:s0], s1  }
0x118: {  	s0 =	simm.s32 @!p0 $0x3  }
0x119: {  	_ =	swait.ge @!p0 [sflag:s0], s1  }
0x11a: {  	s1 =	ssub.s32 @!p0 $0x0, s1;
	[sflag:s0] =	ssyncset.done @!p0 $0x0  }
0x11b: {  	[sflag:s0] =	ssyncadd.s32 @!p0 s1  }
0x11c: {  	[bflag:$0x3] =	sbarrier.arrive $0xFFFF  }
0x11d: {  	_ =	shalt  }

// kernel: kernel.7.cloned.1.call-start
scs
__scs_entry_jumppad:
0x0: {  	(pc) =	sbr.rel $0x88, $3  }
0x1: {  	(tag) =	ssettag $0x0;
	lr =	simm.s32 $0x1  }
0x2: {  	[smem:$0x3F9B] =	sst lr;
	_ =	strace $0xD0000000  }
0x3: {  	_ = 	snop  }
0x4: {  	_ = 	snop  }
0x5: {  	_ = 	snop  }
0x6: {  	_ = 	snop  }
0x7: {  	_ = 	snop  }
__scs_overlays_trampoline_lowered:
0x8: {  	[smem:$0x3FAA] =	sst s0  }
0x9: {  	[smem:$0x3FAB] =	sst s1  }
0xa: {  	[smem:$0x3FAC] =	sst s2  }
0xb: {  	[smem:$0x3FAD] =	sst s3  }
0xc: {  	[smem:$0x3FAE] =	sst s4  }
0xd: {  	[smem:$0x3FAF] =	sst s5  }
0xe: {  	[smem:$0x3FB0] =	sst s6  }
0xf: {  	[smem:$0x3FB1] =	sst s7  }
0x10: {  	[smem:$0x3FB2] =	sst s8  }
0x11: {  	[smem:$0x3FB3] =	sst s9;
	s0 =	simm.s32 @!p0 $0x0  }
0x12: {  	s1 =	sld [smem:$0x3F99];
	s0 =	simm.s32 @p0 $0x1  }
0x13: {  	[smem:$0x3FB4] =	sst s0;
	s0 =	simm.s32 @!p1 $0x0  }
0x14: {  	s2 =	sld [smem:$0x3F98];
	s0 =	simm.s32 @p1 $0x1  }
0x15: {  	[smem:$0x3FB5] =	sst s0;
	s0 =	simm.s32 @!p2 $0x0  }
0x16: {  	s3 =	sld [smem:$0x3FDB];
	s0 =	simm.s32 @p2 $0x1  }
0x17: {  	s4 =	simm.s32 $0x1BF5;
	[smem:$0x3FB7] =	sst s0  }
0x18: {  	s0 =	sld [smem:$0x3F9A];
	_ =	swait.ge [sflag:s4], $0x0  }
0x19: {  	s7 =	sld [smem:$0x3F9B]  }
0x1a: {  	s8 =	sadd.s32 $0xFFFFE003, lr  }
0x1b: {  	s9 =	sadd.s32 $0xFFFFFEF7, lr;
	s5 =	simm.s32 $0xFFFFFFFF;
	p2 =	slt.u32 s8, $0xFFFFF086  }
0x1c: {  	p1 =	slt.u32 s9, $0xF7A;
	s5 =	simm.s32 @!p2 $0x0  }
0x1d: {  	s5 =	simm.s32 @p1 $0x1;
	p0 =	seq.s32 s7, s2  }
0x1e: {  	s7 =	smul.u32 @!p0 $0xF7A, s2;
	p2 =	seq.s32 @!p0 s5, $0x0  }
0x1f: {  	s9 =	smul.u32 $0xF7A, s1;
	s8 =	simm.s32 @!p0 $0x1BF5;
	p2 =	por !p2, p0  }
0x20: {  	[sflag:s8] =	ssyncset.s32 @!p0 $0xFFFFF086;
	s6 =	sadd.s32 @!p0 s3, s7;
	s7 =	simm.s32 @!p0 $0x108  }
0x21: {  	s3 =	sadd.s32 s3, s9;
	s6 =	sadd.s32 @!p0 $0x88, s6;
	s7 =	simm.s32 @p2 $0x1082  }
0x22: {  	[simem:s7], [sflag:s8] =	dma.local @!p0 [hbm:s6], $0xF7A  }
0x23: {  	s9 =	sor.u32 $0xD0000000, s2;
	s6 =	simm.s32 $0x108;
	_ =	swait.ge @!p0 [sflag:s8], $0x0  }
0x24: {  	s3 =	sadd.s32 $0x88, s3;
	s6 =	simm.s32 @!p1 $0x1082;
	[sflag:s4] =	ssyncset.s32 $0xFFFFF086  }
0x25: {  	[simem:s6], [sflag:s4] =	dma.local [hbm:s3], $0xF7A  }
0x26: {  	[smem:$0x3F9B] =	sst s1;
	(tag) =	ssettag s2;
	_ =	strace s9  }
0x27: {  	s1 =	sld [smem:$0x3FAB]  }
0x28: {  	s2 =	sld [smem:$0x3FAC]  }
0x29: {  	s4 =	sld [smem:$0x3FAE]  }
0x2a: {  	p0 =	seq.s32 s5, $0x0;
	s5 =	sld [smem:$0x3FAF]  }
0x2b: {  	s6 =	sld [smem:$0x3FB0]  }
0x2c: {  	s7 =	sld [smem:$0x3FB1]  }
0x2d: {  	s3 =	simm.s32 $0x108;
	s8 =	sld [smem:$0x3FB2]  }
0x2e: {  	s3 =	simm.s32 @!p0 $0x1082;
	s9 =	sld [smem:$0x3FB3]  }
0x2f: {  	lr =	sadd.s32 s0, s3;
	s0 =	sld [smem:$0x3FAA]  }
0x30: {  	s3 =	sld [smem:$0x3FAD]  }
0x31: {  	[smem:$0x3FB6] =	sst s10  }
0x32: {  	s10 =	sld [smem:$0x3FB4];
	_ =	sdelay $0x3  }
0x33: {  	p0 =	seq.s32 s10, $0x1;
	s10 =	sld [smem:$0x3FB6];
	_ =	sdelay $0x3  }
0x34: {  	[smem:$0x3FB6] =	sst s10  }
0x35: {  	s10 =	sld [smem:$0x3FB5];
	_ =	sdelay $0x3  }
0x36: {  	p1 =	seq.s32 s10, $0x1;
	s10 =	sld [smem:$0x3FB6];
	_ =	sdelay $0x3  }
0x37: {  	[smem:$0x3FB6] =	sst s10  }
0x38: {  	s10 =	sld [smem:$0x3FB7]  }
0x39: {  	_ = 	snop;
	(pc) =	sbr.ind lr, $3  }
0x3a: {  	_ = 	snop  }
0x3b: {  	_ = 	snop  }
0x3c: {  	p2 =	seq.s32 s10, $0x1;
	s10 =	sld [smem:$0x3FB6]  }
0x3d: {  	_ =	shalt  }
0x3e: {  	_ =	shalt  }
0x3f: {  	_ =	shalt  }
0x40: {  	_ =	shalt  }
0x41: {  	_ =	shalt  }
0x42: {  	_ =	shalt  }
0x43: {  	_ =	shalt  }
0x44: {  	_ =	shalt  }
0x45: {  	_ =	shalt  }
0x46: {  	_ =	shalt  }
0x47: {  	_ =	shalt  }
0x48: {  	_ =	shalt  }
0x49: {  	_ =	shalt  }
0x4a: {  	_ =	shalt  }
0x4b: {  	_ =	shalt  }
0x4c: {  	_ =	shalt  }
0x4d: {  	_ =	shalt  }
0x4e: {  	_ =	shalt  }
0x4f: {  	_ =	shalt  }
0x50: {  	_ =	shalt  }
0x51: {  	_ =	shalt  }
0x52: {  	_ =	shalt  }
0x53: {  	_ =	shalt  }
0x54: {  	_ =	shalt  }
0x55: {  	_ =	shalt  }
0x56: {  	_ =	shalt  }
0x57: {  	_ =	shalt  }
0x58: {  	_ =	shalt  }
0x59: {  	_ =	shalt  }
0x5a: {  	_ =	shalt  }
0x5b: {  	_ =	shalt  }
0x5c: {  	_ =	shalt  }
0x5d: {  	_ =	shalt  }
0x5e: {  	_ =	shalt  }
0x5f: {  	_ =	shalt  }
0x60: {  	_ =	shalt  }
0x61: {  	_ =	shalt  }
0x62: {  	_ =	shalt  }
0x63: {  	_ =	shalt  }
0x64: {  	_ =	shalt  }
0x65: {  	_ =	shalt  }
0x66: {  	_ =	shalt  }
0x67: {  	_ =	shalt  }
0x68: {  	_ =	shalt  }
0x69: {  	_ =	shalt  }
0x6a: {  	_ =	shalt  }
0x6b: {  	_ =	shalt  }
0x6c: {  	_ =	shalt  }
0x6d: {  	_ =	shalt  }
0x6e: {  	_ =	shalt  }
0x6f: {  	_ =	shalt  }
0x70: {  	_ =	shalt  }
0x71: {  	_ =	shalt  }
0x72: {  	_ =	shalt  }
0x73: {  	_ =	shalt  }
0x74: {  	_ =	shalt  }
0x75: {  	_ =	shalt  }
0x76: {  	_ =	shalt  }
0x77: {  	_ =	shalt  }
0x78: {  	_ =	shalt  }
0x79: {  	_ =	shalt  }
0x7a: {  	_ =	shalt  }
0x7b: {  	_ =	shalt  }
0x7c: {  	_ =	shalt  }
0x7d: {  	_ =	shalt  }
0x7e: {  	_ =	shalt  }
0x7f: {  	_ =	shalt  }
0x80: {  	_ =	shalt  }
0x81: {  	_ =	shalt  }
0x82: {  	_ =	shalt  }
0x83: {  	_ =	shalt  }
0x84: {  	_ =	shalt  }
0x85: {  	_ =	shalt  }
0x86: {  	_ =	shalt  }
0x87: {  	_ =	shalt  }
.Lfunc_end0:
.L_simem_size_0:
called_computation_lowered:
.L_overlay_start_0:
0x88: {  	s2 =	sld [smem:$0x3FD9]  }
0x89: {  	s3 =	sld [smem:$0x3FFE];
	_ =	sdelay $0x1  }
0x8a: {  	s1 =	srdreg.scid  }
0x8b: {  	s0 =	sand.u32 $0x1, s1  }
0x8c: {  	s16 =	sshll.u32 s0, $0xA;
	s2 =	sadd.s32 s3, s2  }
0x8d: {  	s2 =	sadd.s32 s2, s16  }
0x8e: {  	[smem:$0x3FC2] =	sst s2  }
0x8f: {  	_ = 	snop  }
0x90: {  	(tm) =	ssettm $0x1  }
0x91: {  	s17 =	sld [smem:$0x3FFB];
	_ =	sdelay $0x3  }
0x92: {  	_ =	strace s17  }
0x93: {  	s2 =	sld [smem:$0x3FFC];
	_ =	sdelay $0x3  }
0x94: {  	_ =	strace s2  }
0x95: {  	s2 =	sld [smem:$0x3FFD];
	_ =	sdelay $0x3  }
0x96: {  	_ =	strace s2  }
0x97: {  	_ =	strace $0x8FFFFFFF  }
0x98: {  	s18 =	sld [smem:$0x3FDB];
	_ =	sdelay $0x1  }
0x99: {  	s19 =	simm.s32 $_scs_section_size  }
0x9a: {  	s4 =	simm.s32 $_size__tile_overlayer_lowered;
	s5 =	simm.s32 $_tile_overlayer_lowered  }
0x9b: {  	s22 =	simm.s32 $0x1BFF;
	s21 =	sshll.u32 s5, $0x1;
	s2 =	sadd.s32 s19, s18  }
0x9c: {  	s6 =	simm.s32 $0x0;
	s20 =	sshll.u32 s4, $0x1;
	s4 =	sadd.s32 s21, s2  }
0x9d: {  	[timem:s6], [sflag:s22] =	dma.local [hbm:s4], s20  }
0x9e: {  	_ =	swait.ge [sflag:s22], s20  }
0x9f: {  	s3 =	ssub.s32 $0x0, s20;
	[sflag:s22] =	ssyncset.done $0x0  }
0xa0: {  	[sflag:s22] =	ssyncadd.s32 s3;
	_ =	sdelay $0x1  }
0xa1: {  	s23 =	simm.s32 $0x1B8B  }
0xa2: {  	_ =	swait.ge [sflag:s23], $0x1  }
0xa3: {  	[sflag:s23] =	ssyncset.done $0x0  }
0xa4: {  	s25 =	simm.s32 $0x1B8E;
	s24 =	sld [smem:$0x3FFE];
	[sflag:s23] =	ssyncadd.s32 $0xFFFFFFFF  }
0xa5: {  	s26 =	simm.s32 $execute0_lowered;
	[smem:$0x3FD2] =	sst s25  }
0xa6: {  	s4 =	sshll.u32 s26, $0x1;
	_ =	strace $0x80000046;
	[dreg:$0x1] =	wrdreg $0xFFFFFFFF  }
0xa7: {  	s28 =	simm.s32 $_size_execute0_lowered;
	s2 =	sadd.s32 s2, s4;
	[dreg:$0x0] =	wrdreg $0x0  }
0xa8: {  	s4 =	sshll.u32 s28, $0x1;
	[dreg:$0x2] =	wrdreg s2  }
0xa9: {  	[dreg:$0x3] =	wrdreg s4  }
0xaa: {  	[dreg:$0x4] =	wrdreg $0xC0  }
0xab: {  	_ =	task [dreg:s6], $0x5FFFF  }
0xac: {  	[dreg:$0x1] =	wrdreg $0xFFFFFFFF  }
0xad: {  	[dreg:$0x0] =	wrdreg $0x60  }
0xae: {  	[dreg:$0x2] =	wrdreg s24  }
0xaf: {  	[dreg:$0x3] =	wrdreg $0x71200  }
0xb0: {  	[dreg:$0x4] =	wrdreg $0x9  }
0xb1: {  	_ =	task.clear_ibuf [dreg:s6], $0x5FFFF;
	_ =	strace $0x90000046  }
0xb2: {  	s29 =	simm.s32 $0x9;
	_ =	strace $0x80000048  }
0xb3: {  	_ =	swait.ge [sflag:s29], $0x1  }
0xb4: {  	[sflag:s29] =	ssyncadd.s32 $0xFFFFFFFF  }
0xb5: {  	_ =	strace $0x90000048  }
0xb6: {  	_ =	sfence  }
0xb7: {  	s30 =	sld [smem:$0x0];
	_ =	sdelay $0x2  }
0xb8: {  	s31 =	sshll.u32 s1, $0xD;
	s1 =	sshrl.u32 s1, $0x2  }
0xb9: {  	s3 =	sand.u32 $0x4000, s31;
	s1 =	sadd.s32 s1, s30  }
0xba: {  	s0 =	sor.u32 s3, s0;
	s1 =	sshll.u32 s1, $0x11  }
0xbb: {  	s0 =	sor.u32 s1, s0  }
0xbc: {  	s0 =	sadd.s32 $0x8F2B, s0  }
0xbd: {  	[sflag:s0] =	ssyncadd.remote.s32 $0x1  }
0xbe: {  	_ =	sfence.sel $0xFFFF  }
0xbf: {  	[dreg:$0x0] =	wrdreg $0xFFFFFFFF;
	(pc) =	sbr.abs _section_cstart, $3  }
0xc0: {  	[dreg:$0x1] =	wrdreg $0xFFFFFFFF  }
0xc1: {  	_ =	task.clear_ibuf [dreg:s6], $0x2FFFF;
	_ =	strace $0x9FFFFFFF  }
0xc2: {  	(tm) =	ssettm $0x7FFFFFFF  }
0xc3: {  	_ =	shalt  }
tec
execute0_lowered:
.L_overlay_start_1:
0x0: {  	(tag) =	ssettag $0x1  }
0x1: {  	s0 =	srdreg.scid;
	s1 =	rddreg [dreg:$0x0]  }
0x2: {  	s13 =	stileid.u32;
	s2 =	rddreg [dreg:$0x1];
	s29 =	simm.s32 $0x0  }
0x3: {  	s15 =	simm.s32 $0x5;
	s16 =	simm.s32 $0x2710;
	s17 =	simm.s32 $0x50  }
0x4: {  	s20 =	simm.s32 $0x3;
	s21 =	simm.s32 $0x4;
	s22 =	simm.s32 $0x0  }
0x5: {  	s0 =	sand.u32 $0x1, s0;
	[smem:$0x7FF] =	sst s29;
	s8 =	smul.u32 $0x2800, s13  }
0x6: {  	s4 =	sadd.s32 $0x14800, s1;
	s5 =	sadd.s32 $0x19800, s1;
	s31 =	sshll.u32 s13, $0x6  }
0x7: {  	s3 =	sshll.u32 s0, $0x4;
	_ =	strace $0x80000047;
	s9 =	smul.u32 $0x28000, s0  }
0x8: {  	s0 =	ssub.s32 $0x2, s0;
	s7 =	sor.u32 s13, s3;
	s30 =	sshrl.u32 s8, $0x3  }
0x9: {  	s12 =	sshrl.u32 s0, $0x1;
	s14 =	sadd.s32 s8, s2;
	s6 =	smul.u32 $0x4E2, s7  }
0xa: {  	s9 =	sadd.s32 s8, s9;
	s10 =	sadd.s32 s30, s1;
	s0 =	ssub.s32 s0, s12  }
0xb: {  	s7 =	smul.u32 $0x2710, s7;
	s14 =	sshrl.u32 s14, $0x3;
	s9 =	sshrl.u32 s9, $0x3  }
0xc: {  	s8 =	sadd.s32 $0x1E800, s10;
	s13 =	smax.u32 s0, $0x1;
	s11 =	sadd.s32 s6, s1  }
0xd: {  	v2 =	vlaneseq.u32;
	s6 =	sadd.s32 $0x2D800, s1;
	s1 =	sadd.s32 s9, s1;
	s9 =	sor.u32 $0x1C05, s31  }
0xe: {  	v0 =	vimm.f32 $0.0e+00;
	v1 =	vshrl.u32 v2, $0x2;
	v2 =	vand.u32 $0x3, v2;
	s10 =	sadd.s32 $0xAA00, s11;
	s11 =	sadd.s32 $0xC00, s11;
	s12 =	sadd.s32 $0x23800, s1  }
.LBB2_1:
0xf: {  	[spmem:s14], [sflag:s9] =	dma.local [hbm:s8], $0x500  }
0x10: {  	_ =	swait.ge [sflag:s15], $0x500  }
0x11: {  	[sflag:s15] =	ssyncset.done $0x0  }
0x12: {  	s0 =	simm.s32 $0x0;
	[sflag:s15] =	ssyncadd.s32 $0xFFFFFB00  }
0x13: {  	[tilespmem:s0], [sflag:$0x5] =	stream.linear.gather [hbm4b:s10+s0], $0x2710, $0x38;
	[tilespmem:$0x9920] =	vst v63  }
0x14: {  	_ =	swait.ge [sflag:s15], $0x2710  }
0x15: {  	[sflag:s15] =	ssyncset.done $0x0  }
0x16: {  	[sflag:s15] =	ssyncadd.s32 $0xFFFFD8F0  }
0x17: {  	[tilespmem:s16], [sflag:$0x5] =	stream.linear.gather [hbm4b:s11+s0], $0x2710, $0x38;
	[tilespmem:$0x9920] =	vst v63  }
0x18: {  	_ =	swait.ge [sflag:s15], $0x2710  }
0x19: {  	[sflag:s15] =	ssyncset.done $0x0  }
0x1a: {  	s1 =	simm.s32 $0x0;
	s0 =	simm.s32 $0x40;
	[sflag:s15] =	ssyncadd.s32 $0xFFFFD8F0  }
.LBB2_2:
0x1b: {  	p0 =	sne.s32 s0, $0x13C0;
	[tilespmem:s1+$0x6720] =	vst v0;
	s23 =	smov.u32 s0;
	s0 =	sadd.s32 $0x40, s0  }
.Ltmp0:
0x1c: {  	[tilespmem:s1+$0x6C20] =	vst v0;
	(pc) =	sbr.rel @p0 .LBB2_2-.Ltmp0, $2  }
0x1d: {  	_ =	sdelay $0x2  }
0x1e: {  	s1 =	sshra.s32 s23, $0x2  }
0x1f: {  	[tilespmem:s1+$0x6720] =	vst v0  }
0x20: {  	[tilespmem:s1+$0x6C20] =	vst v0  }
0x21: {  	s24 =	simm.s32 $0x0;
	s0 =	simm.s32 $0x4E20;
	[bflag:$0x0] =	sbarrier.arrive $0xFFFF  }
0x22: {  	[tilespmem:s0], [sflag:$0x1] =	stream.indirect.gather [hbm4b:s4+s17], $0x10, s24, s17, $0xb8;
	[tilespmem:$0x9920] =	vst v63  }
0x23: {  	s31 =	simm.s32 $0x5820  }
0x24: {  	[tilespmem:s31], [sflag:$0x1] =	stream.indirect.gather [hbm4b:s5+s17], $0x10, s16, s17, $0xb8;
	[tilespmem:$0x9920] =	vst v63  }
.LBB2_4:
0x25: {  	s23 =	sand.u32 $0x1, s24  }
0x26: {  	p0 =	seq.s32 s23, $0x1  }
0x27: {  	s0 =	simm.s32 @!p0 $0x1  }
0x28: {  	_ =	swait.ge @!p0 [sflag:s0], $0x500  }
0x29: {  	[sflag:s0] =	ssyncset.done @!p0 $0x0  }
0x2a: {  	[sflag:s0] =	ssyncadd.s32 @!p0 $0xFFFFFB00  }
0x2b: {  	_ =	swait.ge @!p0 [sflag:s0], $0x500  }
0x2c: {  	p1 =	seq.s32 s23, $0x0;
	[sflag:s0] =	ssyncset.done @!p0 $0x0  }
0x2d: {  	[sflag:s0] =	ssyncadd.s32 @!p0 $0xFFFFFB00;
	s0 =	simm.s32 @!p1 $0x2  }
0x2e: {  	_ =	swait.ge @!p1 [sflag:s0], $0x500  }
0x2f: {  	p2 =	seq.s32 s24, $0x7C;
	[sflag:s0] =	ssyncset.done @!p1 $0x0  }
0x30: {  	s25 =	smov.u32 s24;
	p3 =	sne.s32 @!p2 s23, $0x0;
	[sflag:s0] =	ssyncadd.s32 @!p1 $0xFFFFFB00  }
0x31: {  	s24 =	sadd.s32 $0x1, s24;
	p2 =	por p3, p2;
	_ =	swait.ge @!p1 [sflag:s0], $0x500  }
0x32: {  	s1 =	smul.u32 @!p2 $0x50, s24;
	[sflag:s0] =	ssyncset.done @!p1 $0x0  }
0x33: {  	s26 =	simm.s32 @!p2 $0x5320;
	[sflag:s0] =	ssyncadd.s32 @!p1 $0xFFFFFB00;
	s0 =	simm.s32 @!p2 $0x50  }
0x34: {  	[tilespmem:s26], [sflag:$0x2] =	stream.indirect.gather @!p2 [hbm4b:s4+s0], $0x10, s1, s0, $0xb8;
	[tilespmem:$0x9920] =	vst v63  }
0x35: {  	s1 =	sadd.s32 @!p2 $0x2710, s1;
	s26 =	simm.s32 @!p2 $0x5D20  }
0x36: {  	[tilespmem:s26], [sflag:$0x2] =	stream.indirect.gather @!p2 [hbm4b:s5+s0], $0x10, s1, s0, $0xb8;
	[tilespmem:$0x9920] =	vst v63  }
0x37: {  	s3 =	simm.s32 $0x8;
	p1 =	slt.u32 s25, $0x2;
	s0 =	smul.u32 @p0 $0x50, s24  }
0x38: {  	s1 =	simm.s32 @p0 $0x50;
	s26 =	simm.s32 @p0 $0x4E20;
	p2 =	sne.s32 @!p1 s23, $0x0  }
0x39: {  	[tilespmem:s26], [sflag:$0x1] =	stream.indirect.gather @p0 [hbm4b:s4+s1], $0x10, s0, s1, $0xb8;
	[tilespmem:$0x9920] =	vst v63  }
0x3a: {  	p2 =	por p2, p1;
	s0 =	sadd.s32 @p0 $0x2710, s0;
	s26 =	simm.s32 @p0 $0x5820  }
0x3b: {  	[tilespmem:s26], [sflag:$0x1] =	stream.indirect.gather @p0 [hbm4b:s5+s1], $0x10, s0, s1, $0xb8;
	[tilespmem:$0x9920] =	vst v63  }
0x3c: {  	v8 =	vor.u32 s3, v1;
	s1 =	simm.s32 @!p2 $0x3  }
0x3d: {  	s29 =	simm.s32 $0xC;
	p6 =	por !p0, !p0;
	v5 =	vshll.u32 v8, $0x4;
	_ =	swait.ge @!p2 [sflag:s1], $0x280  }
0x3e: {  	v10 =	vor.u32 s29, v1;
	v5 =	vor.u32 v2, v5;
	p1 =	por p1, p6;
	[sflag:s1] =	ssyncset.done @!p2 $0x0  }
0x3f: {  	v6 =	vshll.u32 v10, $0x4;
	s26 =	simm.s32 $0x0;
	[sflag:s1] =	ssyncadd.s32 @!p2 $0xFFFFFD80;
	s1 =	simm.s32 @!p1 $0x4  }
0x40: {  	v6 =	vor.u32 v2, v6;
	s0 =	smul.u32 $0x500, s23;
	v7 =	vor.u32 s26, v1;
	_ =	swait.ge @!p1 [sflag:s1], $0x280  }
0x41: {  	s18 =	simm.s32 $0x4;
	v3 =	vshll.u32 v7, $0x4;
	[sflag:s1] =	ssyncset.done @!p1 $0x0  }
0x42: {  	v9 =	vor.u32 s18, v1;
	s26 =	sor.u32 $0x5820, s0;
	v4 =	vor.u32 v2, v3;
	[sflag:s1] =	ssyncadd.s32 @!p1 $0xFFFFFD80  }
0x43: {  	s28 =	sadd.s32 $0x4E20, s0;
	v3 =	vshll.u32 v9, $0x4;
	v14 =	vld.idx.msk [tilespmem:v5+s26+$0x0], $0xffff  }
0x44: {  	v16 =	vshll.u32 v8, $0x3;
	v8 =	vshll.u32 v10, $0x3;
	v3 =	vor.u32 v2, v3;
	v10 =	vld.idx.msk [tilespmem:v5+s28+$0x0], $0xffff  }
0x45: {  	s19 =	simm.s32 $0x10;
	v23 =	vld.idx.msk [tilespmem:v6+s28+$0x0], $0xffff  }
0x46: {  	s29 =	simm.s32 $0x18;
	v18 =	vor.u32 s19, v1;
	s3 =	simm.s32 $0x14;
	v15 =	vshll.u32 v9, $0x3;
	v25 =	vld.idx.msk [tilespmem:v6+s26+$0x0], $0xffff  }
0x47: {  	s18 =	simm.s32 $0x1C;
	v19 =	vor.u32 s29, v1;
	v20 =	vor.u32 s3, v1;
	v7 =	vshll.u32 v7, $0x3;
	v12 =	vld.idx.msk [tilespmem:v4+s28+$0x0], $0xffff  }
0x48: {  	v24 =	vor.u32 s18, v1;
	v13 =	vor.u32 v2, v7;
	v7 =	vshll.u32 v18, $0x4;
	v17 =	vld.idx.msk [tilespmem:v4+s26+$0x0], $0xffff  }
0x49: {  	v11 =	vor.u32 v2, v8;
	v9 =	vshll.u32 v19, $0x4;
	v8 =	vor.u32 v2, v7;
	v21 =	vld.idx.msk [tilespmem:v3+s28+$0x0], $0xffff  }
0x4a: {  	v22 =	vor.u32 v2, v16;
	v7 =	vshll.u32 v20, $0x4;
	v9 =	vor.u32 v2, v9;
	v26 =	vld.idx.msk [tilespmem:v3+s26+$0x0], $0xffff  }
0x4b: {  	v28 =	vshll.u32 v19, $0x3;
	v7 =	vor.u32 v2, v7;
	v14 =	vadd.f32 v14, v10  }
0x4c: {  	v10 =	vshll.u32 v24, $0x4;
	v24 =	vshll.u32 v24, $0x3;
	v23 =	vadd.f32 v25, v23  }
0x4d: {  	s19 =	smul.u32 $0xA00, s23;
	v27 =	vadd.f32 v17, v12;
	v12 =	vshll.u32 v18, $0x3;
	v10 =	vor.u32 v2, v10  }
0x4e: {  	s25 =	smul.u32 $0x50, s25;
	v16 =	vld.idx.msk [tilespmem:v8+s28+$0x0], $0xffff;
	v18 =	vmul.f32 $2.000000030e-01, v14;
	vm0 =	vge.f32 v14, $0.0e+00;
	v17 =	vor.u32 v2, v12  }
0x4f: {  	s1 =	sshrl.u32 s19, $0x2;
	v19 =	vld.idx.msk [tilespmem:v9+s26+$0x0], $0xffff;
	v12 =	vor.u32 v2, v24;
	v21 =	vadd.f32 v26, v21;
	v29 =	vmul.f32 $2.000000030e-01, v27  }
0x50: {  	s29 =	sadd.s32 s7, s25;
	s30 =	sadd.s32 $0x6220, s1;
	vm15 =	vge.f32 v27, $0.0e+00;
	v24 =	vsel vm0, v14, v18;
	v18 =	vshll.u32 v20, $0x3;
	v20 =	vld.idx.msk [tilespmem:v9+s28+$0x0], $0xffff  }
0x51: {  	s31 =	sadd.s32 $0x6720, s0;
	s0 =	simm.s32 $0x2C;
	s1 =	simm.s32 $0x4;
	v14 =	vor.u32 v2, v28;
	[tilespmem:v22+s30+$0x0] =	vst.idx.msk $0xffff, v24;
	v22 =	vld.idx.msk [tilespmem:v8+s26+$0x0], $0xffff;
	v25 =	vsel vm15, v27, v29  }
.LBB2_5:
0x52: {  	s18 =	sadd.s32 $0xFFFFFFF4, s0;
	s19 =	sadd.s32 $0xFFFFFFF8, s0;
	s3 =	sadd.s32 $0xFFFFFFFC, s0;
	v26 =	vld.idx.msk [tilespmem:v7+s28+$0x0], $0xffff;
	[tilespmem:v13+s30+$0x0] =	vst.idx.msk $0xffff, v25;
	v27 =	vor.u32 v2, v15;
	vm0 =	vge.f32 v23, $0.0e+00;
	v15 =	vmul.f32 $2.000000030e-01, v23  }
0x53: {  	s1 =	sadd.s32 $0x4, s1;
	v28 =	vor.u32 s18, v1;
	v29 =	vor.u32 s19, v1;
	v30 =	vor.u32 s3, v1;
	[tilespmem:v4+s31+$0x0] =	vst.idx.msk $0xffff, v25;
	v4 =	vmovc v8;
	v25 =	vmovc v7  }
0x54: {  	p1 =	slt.u32 s1, $0x10;
	v8 =	vshll.u32 v28, $0x4;
	v34 =	vshll.u32 v29, $0x4;
	v31 =	vshll.u32 v30, $0x4;
	v32 =	vld.idx.msk [tilespmem:v7+s26+$0x0], $0xffff;
	[tilespmem:v5+s31+$0x0] =	vst.idx.msk $0xffff, v24;
	v5 =	vmovc v9  }
0x55: {  	v13 =	vmovc v17;
	v24 =	vmul.f32 $2.000000030e-01, v21;
	v8 =	vor.u32 v2, v8;
	v7 =	vor.u32 v2, v34;
	v33 =	vld.idx.msk [tilespmem:v10+s28+$0x0], $0xffff  }
0x56: {  	vm1 =	vge.f32 v21, $0.0e+00;
	v17 =	vsel vm0, v23, v15;
	v9 =	vor.u32 v2, v31;
	v31 =	vld.idx.msk [tilespmem:v10+s26+$0x0], $0xffff;
	v15 =	vmovc v18  }
0x57: {  	v20 =	vadd.f32 v19, v20;
	v18 =	vor.u32 s0, v1;
	v34 =	vadd.f32 v22, v16;
	[tilespmem:v11+s30+$0x0] =	vst.idx.msk $0xffff, v17  }
0x58: {  	v30 =	vshll.u32 v30, $0x3;
	v19 =	vsel vm1, v21, v24;
	v16 =	vshll.u32 v18, $0x4;
	[tilespmem:v6+s31+$0x0] =	vst.idx.msk $0xffff, v17;
	v6 =	vmovc v10  }
.Ltmp1:
0x59: {  	v21 =	vmul.f32 $2.000000030e-01, v20;
	v11 =	vmovc v12;
	v17 =	vshll.u32 v28, $0x3;
	v10 =	vor.u32 v2, v16;
	[tilespmem:v27+s30+$0x0] =	vst.idx.msk $0xffff, v19;
	(pc) =	sbr.rel @p1 .LBB2_5-.Ltmp1, $4  }
0x5a: {  	v12 =	vshll.u32 v18, $0x3;
	vm0 =	vge.f32 v20, $0.0e+00;
	v27 =	vmul.f32 $2.000000030e-01, v34;
	v16 =	vld.idx.msk [tilespmem:v8+s28+$0x0], $0xffff;
	[tilespmem:v3+s31+$0x0] =	vst.idx.msk $0xffff, v19;
	v3 =	vmovc v25  }
0x5b: {  	v12 =	vor.u32 v2, v12;
	v17 =	vor.u32 v2, v17;
	v24 =	vsel vm0, v20, v21;
	v19 =	vld.idx.msk [tilespmem:v9+s26+$0x0], $0xffff  }
0x5c: {  	v18 =	vshll.u32 v29, $0x3;
	vm0 =	vge.f32 v34, $0.0e+00;
	v23 =	vadd.f32 v31, v33;
	v20 =	vld.idx.msk [tilespmem:v9+s28+$0x0], $0xffff;
	[tilespmem:v14+s30+$0x0] =	vst.idx.msk $0xffff, v24  }
0x5d: {  	s0 =	sadd.s32 $0x10, s0;
	v21 =	vadd.f32 v32, v26;
	v25 =	vsel vm0, v34, v27;
	v14 =	vor.u32 v2, v30;
	v22 =	vld.idx.msk [tilespmem:v8+s26+$0x0], $0xffff  }
0x5e: {  	_ =	sdelay $0x3  }
0x5f: {  	v26 =	vld.idx.msk [tilespmem:v7+s28+$0x0], $0xffff  }
0x60: {  	[tilespmem:v13+s30+$0x0] =	vst.idx.msk $0xffff, v25;
	v53 =	vor.u32 v2, v15;
	v54 =	vmul.f32 $2.000000030e-01, v23;
	v27 =	vld.idx.msk [tilespmem:v10+s28+$0x0], $0xffff  }
0x61: {  	vm0 =	vge.f32 v23, $0.0e+00;
	v55 =	vld.idx.msk [tilespmem:v10+s26+$0x0], $0xffff;
	[tilespmem:v5+s31+$0x0] =	vst.idx.msk $0xffff, v24  }
0x62: {  	[tilespmem:v4+s31+$0x0] =	vst.idx.msk $0xffff, v25;
	v56 =	vmul.f32 $2.000000030e-01, v21;
	v15 =	vsel vm0, v23, v54;
	v19 =	vadd.f32 v19, v20  }
0x63: {  	v57 =	vld.idx.msk [tilespmem:v7+s26+$0x0], $0xffff;
	vm11 =	vge.f32 v21, $0.0e+00;
	[tilespmem:v11+s30+$0x0] =	vst.idx.msk $0xffff, v15;
	v16 =	vadd.f32 v22, v16  }
0x64: {  	v5 =	vsel vm11, v21, v56;
	[tilespmem:v6+s31+$0x0] =	vst.idx.msk $0xffff, v15;
	v58 =	vmul.f32 $2.000000030e-01, v19  }
0x65: {  	[tilespmem:v53+s30+$0x0] =	vst.idx.msk $0xffff, v5;
	vm12 =	vge.f32 v19, $0.0e+00;
	v59 =	vmul.f32 $2.000000030e-01, v16  }
0x66: {  	v4 =	vadd.f32 v55, v27;
	[tilespmem:v3+s31+$0x0] =	vst.idx.msk $0xffff, v5;
	vm13 =	vge.f32 v16, $0.0e+00;
	v3 =	vsel vm12, v19, v58  }
0x67: {  	[tilespmem:v14+s30+$0x0] =	vst.idx.msk $0xffff, v3;
	v60 =	vsel vm13, v16, v59  }
0x68: {  	v62 =	vor.u32 v2, v18;
	v61 =	vadd.f32 v57, v26;
	v63 =	vmul.f32 $2.000000030e-01, v4;
	[tilespmem:v17+s30+$0x0] =	vst.idx.msk $0xffff, v60  }
0x69: {  	vm14 =	vge.f32 v4, $0.0e+00;
	[tilespmem:v9+s31+$0x0] =	vst.idx.msk $0xffff, v3  }
0x6a: {  	v3 =	vmul.f32 $2.000000030e-01, v61;
	v4 =	vsel vm14, v4, v63;
	[tilespmem:v8+s31+$0x0] =	vst.idx.msk $0xffff, v60  }
0x6b: {  	vm15 =	vge.f32 v61, $0.0e+00;
	[tilespmem:v12+s30+$0x0] =	vst.idx.msk $0xffff, v4  }
0x6c: {  	v3 =	vsel vm15, v61, v3;
	[tilespmem:v10+s31+$0x0] =	vst.idx.msk $0xffff, v4  }
0x6d: {  	p1 =	sne.s32 s23, $0x0;
	s18 =	smul.u32 $0x1400, s23;
	[tilespmem:v62+s30+$0x0] =	vst.idx.msk $0xffff, v3  }
0x6e: {  	s0 =	sadd.s32 @!p1 s6, s29;
	s1 =	simm.s32 @!p1 $0x0;
	s3 =	simm.s32 @!p1 $0x6220;
	[tilespmem:v7+s31+$0x0] =	vst.idx.msk $0xffff, v3  }
0x6f: {  	[hbm4b:s0+s1] =	stream.linear.scatter @!p1 [tilespmem:s3], [sflag:$0x3], $0x280, $0x38;
	[tilespmem:$0x9920] =	vst v63  }
0x70: {  	s0 =	sadd.s32 @p0 s6, s29;
	s1 =	simm.s32 @p0 $0x0;
	s3 =	simm.s32 @p0 $0x64A0  }
0x71: {  	[hbm4b:s0+s1] =	stream.linear.scatter @p0 [tilespmem:s3], [sflag:$0x4], $0x280, $0x38;
	[tilespmem:$0x9920] =	vst v63  }
0x72: {  	s31 =	sshrl.u32 s18, $0x2;
	p0 =	sne.s32 s24, $0x7D  }
.Ltmp2:
0x73: {  	s0 =	sadd.s32 $0x6720, s31;
	(pc) =	sbr.rel @p0 .LBB2_4-.Ltmp2, $4  }
0x74: {  	[spmem:s2] =	stream.indirect.scatter.add.f32 [tilespmem:s0], [sflag:$0x5], $0x10, s25, s17, $0xb8;
	[tilespmem:$0x9920] =	vst v63  }
0x75: {  	_ =	swait.ge [sflag:s15], $0x500  }
0x76: {  	[sflag:s15] =	ssyncset.done $0x0  }
0x77: {  	[sflag:s15] =	ssyncadd.s32 $0xFFFFFB00  }
0x78: {  	_ =	swait.ge [sflag:s20], $0x280  }
0x79: {  	[sflag:s20] =	ssyncset.done $0x0  }
0x7a: {  	[sflag:s20] =	ssyncadd.s32 $0xFFFFFD80  }
0x7b: {  	_ =	swait.ge [sflag:s21], $0x280  }
0x7c: {  	s22 =	sadd.s32 $0x1, s22;
	[sflag:s21] =	ssyncset.done $0x0  }
0x7d: {  	p0 =	sne.s32 s22, s13;
	[sflag:s21] =	ssyncadd.s32 $0xFFFFFD80  }
.Ltmp3:
0x7e: {  	[bflag:$0x0] =	sbarrier.arrive $0xFFFF;
	(pc) =	sbr.rel @p0 .LBB2_1-.Ltmp3, $4  }
0x7f: {  	[hbm:s12], [sflag:s9] =	dma.local [spmem:s14], $0x500  }
0x80: {  	_ =	swait.ge [sflag:s15], $0x500  }
0x81: {  	[sflag:s15] =	ssyncset.done $0x0  }
0x82: {  	[sflag:s15] =	ssyncadd.s32 $0xFFFFFB00  }
0x83: {  	_ =	sfence.sel $0x180000  }
0x84: {  	[bflag:$0x0] =	sbarrier.arrive $0xFFFF  }
0x85: {  	_ =	strace $0x90000047  }
0x86: {  	s0 =	stileid.u32;
	[bflag:$0x2] =	sbarrier.arrive $0xFFFF  }
0x87: {  	p0 =	sne.s32 s0, $0x0;
	s0 =	rddreg [dreg:$0x2]  }
0x88: {  	s0 =	sadd.s32 @!p0 $0x100000, s0  }
0x89: {  	[sflag:s0] =	ssyncadd.tile.s32 @!p0 $0x1;
	_ =	shalt  }
.Lfunc_end2:
_tile_overlayer_lowered:
.L_overlay_start_2:
0x8a: {  	(tag) =	ssettag $0x2  }
0x8b: {  	s0 =	rddreg [dreg:$0x0];
	s2 =	stileid.u32  }
0x8c: {  	s1 =	rddreg [dreg:$0x1];
	p0 =	sne.s32 s2, $0x0  }
0x8d: {  	s3 =	rddreg [dreg:$0x2];
	[bflag:$0x3] =	sbarrier.arrive $0xFFFF;
	s2 =	simm.s32 @!p0 $0x1C05  }
0x8e: {  	[timem:s3], [sflag:s2] =	dma.local @!p0 [hbm:s0], s1  }
0x8f: {  	s0 =	simm.s32 @!p0 $0x5  }
0x90: {  	_ =	swait.ge @!p0 [sflag:s0], s1  }
0x91: {  	s1 =	ssub.s32 @!p0 $0x0, s1;
	[sflag:s0] =	ssyncset.done @!p0 $0x0  }
0x92: {  	[sflag:s0] =	ssyncadd.s32 @!p0 s1  }
0x93: {  	[bflag:$0x3] =	sbarrier.arrive $0xFFFF  }
0x94: {  	_ =	shalt  }

</sc_bundles>
